<compile_context>
chip_gen: v7x
topology: tpu7x:2x2x1
jax: 0.10.2.dev20260603
libtpu: 0.0.44.dev20260713+nightly
codegen_flags: <defaults>
</compile_context>

<pallas_src>
import functools

import jax
import jax.numpy as jnp
import numpy as np
from jax import lax
from jax.experimental import pallas as pl
from jax.experimental.pallas import tpu as pltpu
from jax.experimental.pallas import tpu_sc as plsc

N_NODES = 100000
MAX_DEGREE = 64
BATCH = 1024
NS1 = 10
NS2 = 25

_info = plsc.get_sparse_core_info()
NC, NSUB, LANES = _info.num_cores, _info.num_subcores, _info.num_lanes
NW = NC * NSUB
IDS_W = BATCH // NW
F1_W = IDS_W * NS1
F2_W = F1_W * NS2
GCHUNKS = 4
GCH = F1_W // GCHUNKS

PER1 = np.lcm(16, NS1)
PER2 = np.lcm(16, NS2)
ROWS_PER1 = PER1 // NS1
ROWS_PER2 = PER2 // NS2

_P1 = np.arange(PER1)
_P2 = np.arange(PER2)
_PM1 = (_P1 // NS1).astype(np.int32)
_PM2 = (_P2 // NS2).astype(np.int32)


def _sample_body(inputs_hbm, adj_hbm, pm1_hbm, pc1_hbm, pm2_hbm, pc2_hbm,
                 out0_hbm, out1_hbm, out2_hbm,
                 pm1_v, pc1_v, pm2_v, pc2_v, ids_v, rows1_v, f1_v, rows2_v,
                 f2_v, sem):
    wid = lax.axis_index("s") * NC + lax.axis_index("c")

    pltpu.sync_copy(pm1_hbm, pm1_v)
    pltpu.sync_copy(pc1_hbm, pc1_v)
    pltpu.sync_copy(pm2_hbm, pm2_v)
    pltpu.sync_copy(pc2_hbm, pc2_v)
    base = pl.multiple_of(wid * IDS_W, IDS_W)
    pltpu.sync_copy(inputs_hbm.at[pl.ds(base, IDS_W)], ids_v)

    cp1 = pltpu.async_copy(adj_hbm.at[ids_v], rows1_v, sem)
    pltpu.sync_copy(ids_v, out0_hbm.at[pl.ds(base, IDS_W)])
    cp1.wait()

    for g in range(F1_W // PER1):
        for c in range(PER1 // LANES):
            m = g * ROWS_PER1 + pm1_v[pl.ds(c * LANES, LANES)]
            cv = pc1_v[pl.ds(c * LANES, LANES)]
            val = plsc.load_gather(rows1_v, [m, cv])
            f1_v[g, pl.ds(c * LANES, LANES)] = val

    for j in range(GCHUNKS):
        pltpu.sync_copy(f1_v.at[j],
                        out1_hbm.at[pl.ds(pl.multiple_of(wid * F1_W + j * GCH, GCH),
                                          GCH)])

    copies = [
        pltpu.async_copy(adj_hbm.at[f1_v.at[j]],
                         rows2_v.at[pl.ds(j * GCH, GCH)], sem)
        for j in range(GCHUNKS)
    ]
    for cp in copies:
        cp.wait()

    def sel2(g, carry):
        for c in range(PER2 // LANES):
            m = g * ROWS_PER2 + pm2_v[pl.ds(c * LANES, LANES)]
            cv = pc2_v[pl.ds(c * LANES, LANES)]
            val = plsc.load_gather(rows2_v, [m, cv])
            f2_v[pl.ds(g * PER2 + c * LANES, LANES)] = val
        return carry

    lax.fori_loop(0, F2_W // PER2, sel2, 0)

    pltpu.sync_copy(f2_v, out2_hbm.at[pl.ds(pl.multiple_of(wid * F2_W, F2_W),
                                            F2_W)])


@functools.partial(
    pl.kernel,
    mesh=plsc.VectorSubcoreMesh(core_axis_name="c", subcore_axis_name="s"),
    out_type=(jax.ShapeDtypeStruct((BATCH,), jnp.int32),
              jax.ShapeDtypeStruct((BATCH * NS1,), jnp.int32),
              jax.ShapeDtypeStruct((BATCH * NS1 * NS2,), jnp.int32)),
    scratch_types=[
        pltpu.VMEM((PER1,), jnp.int32),
        pltpu.VMEM((PER1,), jnp.int32),
        pltpu.VMEM((PER2,), jnp.int32),
        pltpu.VMEM((PER2,), jnp.int32),
        pltpu.VMEM((IDS_W,), jnp.int32),
        pltpu.VMEM((IDS_W, MAX_DEGREE), jnp.int32),
        pltpu.VMEM((GCHUNKS, GCH), jnp.int32),
        pltpu.VMEM((F1_W, MAX_DEGREE), jnp.int32),
        pltpu.VMEM((F2_W,), jnp.int32),
        pltpu.SemaphoreType.DMA,
    ],
    compiler_params=pltpu.CompilerParams(use_tc_tiling_on_sc=False,
                                         needs_layout_passes=False),
)
def _sample_kernel(inputs_hbm, adj_hbm, pm1_hbm, pc1_hbm, pm2_hbm, pc2_hbm,
                   out0_hbm, out1_hbm, out2_hbm, *scratch):
    _sample_body(inputs_hbm, adj_hbm, pm1_hbm, pc1_hbm, pm2_hbm, pc2_hbm,
                 out0_hbm, out1_hbm, out2_hbm, *scratch)


def kernel(inputs, adj_info):
    key = jax.random.key(42)
    key, sub1 = jax.random.split(key)
    perm1 = jax.random.permutation(sub1, MAX_DEGREE).astype(jnp.int32)
    key, sub2 = jax.random.split(key)
    perm2 = jax.random.permutation(sub2, MAX_DEGREE).astype(jnp.int32)
    pc1 = jnp.take(perm1[:NS1], jnp.asarray(_P1 % NS1, dtype=jnp.int32))
    pc2 = jnp.take(perm2[:NS2], jnp.asarray(_P2 % NS2, dtype=jnp.int32))
    pm1 = jnp.asarray(_PM1)
    pm2 = jnp.asarray(_PM2)

    out0, out1, out2 = _sample_kernel(inputs, adj_info, pm1, pc1, pm2, pc2)
    return (out0, out1, out2)

# --- scband reference (transcript-rebuilt; emitter-appended) ---
"""Pipeline reference for scband-sample-71725953843783 (READ-ONLY COPY).

The authoritative reference and input builder live on the scoring server;
editing this copy changes nothing except your own understanding.
"""

import jax, jax.numpy as jnp
import numpy as np

N_NODES = 100000
MAX_DEGREE = 64
NUM_SAMPLES = [25, 10]  # layer_infos[i].num_samples (GraphSAGE fanouts)
BATCH = 1024


def setup_inputs(seed: int = 0) -> dict:
    key = jax.random.key(seed)
    k1, k2 = jax.random.split(key)
    inputs = jax.random.randint(k1, (BATCH,), 0, N_NODES, dtype=jnp.int32)
    adj_info = jax.random.randint(k2, (N_NODES, MAX_DEGREE), 0, N_NODES, dtype=jnp.int32)
    return {"inputs": inputs, "adj_info": adj_info}


def _uniform_neighbor_sample(adj_info, ids, num_samples, key):
    # tf.nn.embedding_lookup(adj_info, ids)
    adj_lists = jnp.take(adj_info, ids, axis=0)  # [n, max_degree]
    # tf.transpose(tf.random_shuffle(tf.transpose(adj_lists))):
    # a single random permutation of the neighbor columns shared across rows
    perm = jax.random.permutation(key, adj_lists.shape[1])
    adj_lists = adj_lists[:, perm]
    # tf.slice(adj_lists, [0,0], [-1, num_samples])
    adj_lists = adj_lists[:, :num_samples]
    # flatten so the next sampler's embedding_lookup receives a 1-D id list
    # (matches GraphSAGE's reshape to [support_size * batch_size])
    return adj_lists.reshape(-1)


def reference(inputs, adj_info):
    num_samplers = len(NUM_SAMPLES)
    samples = [inputs]
    key = jax.random.key(42)
    for k in range(num_samplers):
        key, sub = jax.random.split(key)
        # neighbor_samplers[k] uses layer_infos[num_samplers - k - 1].num_samples
        ns = NUM_SAMPLES[num_samplers - k - 1]
        samples.append(_uniform_neighbor_sample(adj_info, samples[k], ns, sub))
    return tuple(samples)  # (ids[B], frontier1[B*10], frontier2[B*10*25])

if __name__ == "__main__":
    import jax
    _d = setup_inputs()
    print(jax.jit(kernel)(*tuple(_d.values())))

</pallas_src>

<mosaic_0001>
#map = affine_map<(d0, d1) -> (0)>
#map1 = affine_map<(d0, d1) -> (0, 0)>
module attributes {stable_mosaic.version = 14 : i64} {
  func.func @_sample_kernel(%arg0: i32, %arg1: i32, %arg2: memref<1024xi32, #tpu.memory_space<hbm>>, %arg3: memref<100000x64xi32, #tpu.memory_space<hbm>>, %arg4: memref<80xi32, #tpu.memory_space<hbm>>, %arg5: memref<80xi32, #tpu.memory_space<hbm>>, %arg6: memref<400xi32, #tpu.memory_space<hbm>>, %arg7: memref<400xi32, #tpu.memory_space<hbm>>, %arg8: memref<1024xi32, #tpu.memory_space<hbm>>, %arg9: memref<10240xi32, #tpu.memory_space<hbm>>, %arg10: memref<256000xi32, #tpu.memory_space<hbm>>, %arg11: memref<80xi32, #tpu.memory_space<vmem>>, %arg12: memref<80xi32, #tpu.memory_space<vmem>>, %arg13: memref<400xi32, #tpu.memory_space<vmem>>, %arg14: memref<400xi32, #tpu.memory_space<vmem>>, %arg15: memref<32xi32, #tpu.memory_space<vmem>>, %arg16: memref<32x64xi32, #tpu.memory_space<vmem>>, %arg17: memref<4x80xi32, #tpu.memory_space<vmem>>, %arg18: memref<320x64xi32, #tpu.memory_space<vmem>>, %arg19: memref<8000xi32, #tpu.memory_space<vmem>>, %arg20: memref<!tpu.dma_semaphore, #tpu.memory_space<semaphore_mem>>) attributes {dimension_semantics = [#tpu.dimension_semantics<core_parallel>, #tpu.dimension_semantics<subcore_parallel>], iteration_bounds = array<i64: 2, 16>, scalar_prefetch = 0 : i64, scratch_operands = 10 : i64, tpu.core_type = #tpu.core_type<sc_vector_subcore>, window_params = [{transform_indices = #map}, {transform_indices = #map1}, {transform_indices = #map}, {transform_indices = #map}, {transform_indices = #map}, {transform_indices = #map}, {transform_indices = #map}, {transform_indices = #map}, {transform_indices = #map}]} {
    %mul3A = arith.constant 2 : i32
    %mul3A_0 = arith.muli %arg1, %mul3A : i32
    %add3A = arith.addi %mul3A_0, %arg0 : i32
    "tpu.region"() ({
      %run_scoped3A_355 = tpu.sem_alloc : memref<!tpu.dma_semaphore, #tpu.memory_space<semaphore_mem>>
      tpu.enqueue_dma source(%arg4 : memref<80xi32, #tpu.memory_space<hbm>>) target(%arg11 : memref<80xi32, #tpu.memory_space<vmem>>) target_semaphore(%run_scoped3A_355 : memref<!tpu.dma_semaphore, #tpu.memory_space<semaphore_mem>>)
      tpu.wait_dma2 semaphore(%run_scoped3A_355 : memref<!tpu.dma_semaphore, #tpu.memory_space<semaphore_mem>>) src(%arg4 : memref<80xi32, #tpu.memory_space<hbm>>) dst(%arg11 : memref<80xi32, #tpu.memory_space<vmem>>)
      tpu.yield
    }) : () -> ()
    "tpu.region"() ({
      %run_scoped3A_355 = tpu.sem_alloc : memref<!tpu.dma_semaphore, #tpu.memory_space<semaphore_mem>>
      tpu.enqueue_dma source(%arg5 : memref<80xi32, #tpu.memory_space<hbm>>) target(%arg12 : memref<80xi32, #tpu.memory_space<vmem>>) target_semaphore(%run_scoped3A_355 : memref<!tpu.dma_semaphore, #tpu.memory_space<semaphore_mem>>)
      tpu.wait_dma2 semaphore(%run_scoped3A_355 : memref<!tpu.dma_semaphore, #tpu.memory_space<semaphore_mem>>) src(%arg5 : memref<80xi32, #tpu.memory_space<hbm>>) dst(%arg12 : memref<80xi32, #tpu.memory_space<vmem>>)
      tpu.yield
    }) : () -> ()
    "tpu.region"() ({
      %run_scoped3A_355 = tpu.sem_alloc : memref<!tpu.dma_semaphore, #tpu.memory_space<semaphore_mem>>
      tpu.enqueue_dma source(%arg6 : memref<400xi32, #tpu.memory_space<hbm>>) target(%arg13 : memref<400xi32, #tpu.memory_space<vmem>>) target_semaphore(%run_scoped3A_355 : memref<!tpu.dma_semaphore, #tpu.memory_space<semaphore_mem>>)
      tpu.wait_dma2 semaphore(%run_scoped3A_355 : memref<!tpu.dma_semaphore, #tpu.memory_space<semaphore_mem>>) src(%arg6 : memref<400xi32, #tpu.memory_space<hbm>>) dst(%arg13 : memref<400xi32, #tpu.memory_space<vmem>>)
      tpu.yield
    }) : () -> ()
    "tpu.region"() ({
      %run_scoped3A_355 = tpu.sem_alloc : memref<!tpu.dma_semaphore, #tpu.memory_space<semaphore_mem>>
      tpu.enqueue_dma source(%arg7 : memref<400xi32, #tpu.memory_space<hbm>>) target(%arg14 : memref<400xi32, #tpu.memory_space<vmem>>) target_semaphore(%run_scoped3A_355 : memref<!tpu.dma_semaphore, #tpu.memory_space<semaphore_mem>>)
      tpu.wait_dma2 semaphore(%run_scoped3A_355 : memref<!tpu.dma_semaphore, #tpu.memory_space<semaphore_mem>>) src(%arg7 : memref<400xi32, #tpu.memory_space<hbm>>) dst(%arg14 : memref<400xi32, #tpu.memory_space<vmem>>)
      tpu.yield
    }) : () -> ()
    %mul3A_1 = arith.constant 32 : i32
    %mul3A_2 = arith.muli %add3A, %mul3A_1 : i32
    %multiple_of3A = tpu.assume_multiple %mul3A_2, 32 : i32
    "tpu.region"() ({
      %run_scoped3A_355 = tpu.sem_alloc : memref<!tpu.dma_semaphore, #tpu.memory_space<semaphore_mem>>
      %dma_start3A_356 = tpu.memref_slice %arg2[%multiple_of3A] : memref<1024xi32, #tpu.memory_space<hbm>> -> memref<32xi32, #tpu.memory_space<hbm>>
      %dma_start3A_357 = tpu.memref_slice %arg2[%multiple_of3A] : memref<1024xi32, #tpu.memory_space<hbm>> -> memref<32xi32, #tpu.memory_space<hbm>>
      tpu.enqueue_dma source(%dma_start3A_357 : memref<32xi32, #tpu.memory_space<hbm>>) target(%arg15 : memref<32xi32, #tpu.memory_space<vmem>>) target_semaphore(%run_scoped3A_355 : memref<!tpu.dma_semaphore, #tpu.memory_space<semaphore_mem>>)
      %dma_wait3A_358 = tpu.memref_slice %arg2[%multiple_of3A] : memref<1024xi32, #tpu.memory_space<hbm>> -> memref<32xi32, #tpu.memory_space<hbm>>
      %dma_wait3A_359 = tpu.memref_slice %arg2[%multiple_of3A] : memref<1024xi32, #tpu.memory_space<hbm>> -> memref<32xi32, #tpu.memory_space<hbm>>
      tpu.wait_dma2 semaphore(%run_scoped3A_355 : memref<!tpu.dma_semaphore, #tpu.memory_space<semaphore_mem>>) src(%dma_wait3A_359 : memref<32xi32, #tpu.memory_space<hbm>>) dst(%arg15 : memref<32xi32, #tpu.memory_space<vmem>>)
      tpu.yield
    }) : () -> ()
    %dma_start3A = arith.constant 0 : i32
    %dma_start3A_3 = arith.constant 0 : i32
    %dma_start3A_4 = tpu.memref_slice %arg3[%dma_start3A, %dma_start3A_3] : memref<100000x64xi32, #tpu.memory_space<hbm>> -> memref<100000x64xi32, #tpu.memory_space<hbm>>
    tpu.enqueue_indirect_dma source(%dma_start3A_4 : memref<100000x64xi32, #tpu.memory_space<hbm>>) target(%arg16 : memref<32x64xi32, #tpu.memory_space<vmem>>) offsets(%arg15 : memref<32xi32, #tpu.memory_space<vmem>>) semaphore(%arg20 : memref<!tpu.dma_semaphore, #tpu.memory_space<semaphore_mem>>)
    "tpu.region"() ({
      %run_scoped3A_355 = tpu.sem_alloc : memref<!tpu.dma_semaphore, #tpu.memory_space<semaphore_mem>>
      %dma_start3A_356 = tpu.memref_slice %arg8[%multiple_of3A] : memref<1024xi32, #tpu.memory_space<hbm>> -> memref<32xi32, #tpu.memory_space<hbm>>
      %dma_start3A_357 = tpu.memref_slice %arg8[%multiple_of3A] : memref<1024xi32, #tpu.memory_space<hbm>> -> memref<32xi32, #tpu.memory_space<hbm>>
      tpu.enqueue_dma source(%arg15 : memref<32xi32, #tpu.memory_space<vmem>>) target(%dma_start3A_357 : memref<32xi32, #tpu.memory_space<hbm>>) target_semaphore(%run_scoped3A_355 : memref<!tpu.dma_semaphore, #tpu.memory_space<semaphore_mem>>)
      %dma_wait3A_358 = tpu.memref_slice %arg8[%multiple_of3A] : memref<1024xi32, #tpu.memory_space<hbm>> -> memref<32xi32, #tpu.memory_space<hbm>>
      %dma_wait3A_359 = tpu.memref_slice %arg8[%multiple_of3A] : memref<1024xi32, #tpu.memory_space<hbm>> -> memref<32xi32, #tpu.memory_space<hbm>>
      tpu.wait_dma2 semaphore(%run_scoped3A_355 : memref<!tpu.dma_semaphore, #tpu.memory_space<semaphore_mem>>) src(%arg15 : memref<32xi32, #tpu.memory_space<vmem>>) dst(%dma_wait3A_359 : memref<32xi32, #tpu.memory_space<hbm>>)
      tpu.yield
    }) : () -> ()
    %dma_wait3A = arith.constant 0 : i32
    %dma_wait3A_5 = arith.constant 0 : i32
    %dma_wait3A_6 = tpu.memref_slice %arg3[%dma_wait3A, %dma_wait3A_5] : memref<100000x64xi32, #tpu.memory_space<hbm>> -> memref<100000x64xi32, #tpu.memory_space<hbm>>
    tpu.wait_indirect_dma semaphore(%arg20 : memref<!tpu.dma_semaphore, #tpu.memory_space<semaphore_mem>>) src(%dma_wait3A_6 : memref<100000x64xi32, #tpu.memory_space<hbm>>) dst(%arg16 : memref<32x64xi32, #tpu.memory_space<vmem>>)
    %get3A = arith.constant 0 : index
    %get3A_7 = tpu.vector_load %arg11[%get3A] {strides = array<i32>} : memref<80xi32, #tpu.memory_space<vmem>>, vector<16xi32>,
    %add3A_8 = arith.constant 0 : i32
    %add3A_9 = vector.broadcast %add3A_8 : i32 to vector<16xi32>
    %add3A_10 = arith.addi %add3A_9, %get3A_7 : vector<16xi32>
    %get3A_11 = arith.constant 0 : index
    %get3A_12 = tpu.vector_load %arg12[%get3A_11] {strides = array<i32>} : memref<80xi32, #tpu.memory_space<vmem>>, vector<16xi32>,
    %gather3A = tpu.vector_load_idx %arg16[%add3A_10, %get3A_12] : memref<32x64xi32, #tpu.memory_space<vmem>>[vector<16xi32>, vector<16xi32>], vector<16xi32>,
    %swap3A = arith.constant 0 : i32
    %swap3A_13 = arith.index_cast %swap3A : i32 to index
    %swap3A_14 = arith.constant 0 : index
    %swap3A_15 = tpu.vector_load %arg17[%swap3A_13, %swap3A_14] {strides = array<i32>} : memref<4x80xi32, #tpu.memory_space<vmem>>, vector<16xi32>,
    tpu.vector_store %arg17[%swap3A_13, %swap3A_14], %gather3A {strides = array<i32>} : memref<4x80xi32, #tpu.memory_space<vmem>>, vector<16xi32>,
    %get3A_16 = arith.constant 16 : index
    %get3A_17 = tpu.vector_load %arg11[%get3A_16] {strides = array<i32>} : memref<80xi32, #tpu.memory_space<vmem>>, vector<16xi32>,
    %add3A_18 = arith.constant 0 : i32
    %add3A_19 = vector.broadcast %add3A_18 : i32 to vector<16xi32>
    %add3A_20 = arith.addi %add3A_19, %get3A_17 : vector<16xi32>
    %get3A_21 = arith.constant 16 : index
    %get3A_22 = tpu.vector_load %arg12[%get3A_21] {strides = array<i32>} : memref<80xi32, #tpu.memory_space<vmem>>, vector<16xi32>,
    %gather3A_23 = tpu.vector_load_idx %arg16[%add3A_20, %get3A_22] : memref<32x64xi32, #tpu.memory_space<vmem>>[vector<16xi32>, vector<16xi32>], vector<16xi32>,
    %swap3A_24 = arith.constant 0 : i32
    %swap3A_25 = arith.index_cast %swap3A_24 : i32 to index
    %swap3A_26 = arith.constant 16 : index
    %swap3A_27 = tpu.vector_load %arg17[%swap3A_25, %swap3A_26] {strides = array<i32>} : memref<4x80xi32, #tpu.memory_space<vmem>>, vector<16xi32>,
    tpu.vector_store %arg17[%swap3A_25, %swap3A_26], %gather3A_23 {strides = array<i32>} : memref<4x80xi32, #tpu.memory_space<vmem>>, vector<16xi32>,
    %get3A_28 = arith.constant 32 : index
    %get3A_29 = tpu.vector_load %arg11[%get3A_28] {strides = array<i32>} : memref<80xi32, #tpu.memory_space<vmem>>, vector<16xi32>,
    %add3A_30 = arith.constant 0 : i32
    %add3A_31 = vector.broadcast %add3A_30 : i32 to vector<16xi32>
    %add3A_32 = arith.addi %add3A_31, %get3A_29 : vector<16xi32>
    %get3A_33 = arith.constant 32 : index
    %get3A_34 = tpu.vector_load %arg12[%get3A_33] {strides = array<i32>} : memref<80xi32, #tpu.memory_space<vmem>>, vector<16xi32>,
    %gather3A_35 = tpu.vector_load_idx %arg16[%add3A_32, %get3A_34] : memref<32x64xi32, #tpu.memory_space<vmem>>[vector<16xi32>, vector<16xi32>], vector<16xi32>,
    %swap3A_36 = arith.constant 0 : i32
    %swap3A_37 = arith.index_cast %swap3A_36 : i32 to index
    %swap3A_38 = arith.constant 32 : index
    %swap3A_39 = tpu.vector_load %arg17[%swap3A_37, %swap3A_38] {strides = array<i32>} : memref<4x80xi32, #tpu.memory_space<vmem>>, vector<16xi32>,
    tpu.vector_store %arg17[%swap3A_37, %swap3A_38], %gather3A_35 {strides = array<i32>} : memref<4x80xi32, #tpu.memory_space<vmem>>, vector<16xi32>,
    %get3A_40 = arith.constant 48 : index
    %get3A_41 = tpu.vector_load %arg11[%get3A_40] {strides = array<i32>} : memref<80xi32, #tpu.memory_space<vmem>>, vector<16xi32>,
    %add3A_42 = arith.constant 0 : i32
    %add3A_43 = vector.broadcast %add3A_42 : i32 to vector<16xi32>
    %add3A_44 = arith.addi %add3A_43, %get3A_41 : vector<16xi32>
    %get3A_45 = arith.constant 48 : index
    %get3A_46 = tpu.vector_load %arg12[%get3A_45] {strides = array<i32>} : memref<80xi32, #tpu.memory_space<vmem>>, vector<16xi32>,
    %gather3A_47 = tpu.vector_load_idx %arg16[%add3A_44, %get3A_46] : memref<32x64xi32, #tpu.memory_space<vmem>>[vector<16xi32>, vector<16xi32>], vector<16xi32>,
    %swap3A_48 = arith.constant 0 : i32
    %swap3A_49 = arith.index_cast %swap3A_48 : i32 to index
    %swap3A_50 = arith.constant 48 : index
    %swap3A_51 = tpu.vector_load %arg17[%swap3A_49, %swap3A_50] {strides = array<i32>} : memref<4x80xi32, #tpu.memory_space<vmem>>, vector<16xi32>,
    tpu.vector_store %arg17[%swap3A_49, %swap3A_50], %gather3A_47 {strides = array<i32>} : memref<4x80xi32, #tpu.memory_space<vmem>>, vector<16xi32>,
    %get3A_52 = arith.constant 64 : index
    %get3A_53 = tpu.vector_load %arg11[%get3A_52] {strides = array<i32>} : memref<80xi32, #tpu.memory_space<vmem>>, vector<16xi32>,
    %add3A_54 = arith.constant 0 : i32
    %add3A_55 = vector.broadcast %add3A_54 : i32 to vector<16xi32>
    %add3A_56 = arith.addi %add3A_55, %get3A_53 : vector<16xi32>
    %get3A_57 = arith.constant 64 : index
    %get3A_58 = tpu.vector_load %arg12[%get3A_57] {strides = array<i32>} : memref<80xi32, #tpu.memory_space<vmem>>, vector<16xi32>,
    %gather3A_59 = tpu.vector_load_idx %arg16[%add3A_56, %get3A_58] : memref<32x64xi32, #tpu.memory_space<vmem>>[vector<16xi32>, vector<16xi32>], vector<16xi32>,
    %swap3A_60 = arith.constant 0 : i32
    %swap3A_61 = arith.index_cast %swap3A_60 : i32 to index
    %swap3A_62 = arith.constant 64 : index
    %swap3A_63 = tpu.vector_load %arg17[%swap3A_61, %swap3A_62] {strides = array<i32>} : memref<4x80xi32, #tpu.memory_space<vmem>>, vector<16xi32>,
    tpu.vector_store %arg17[%swap3A_61, %swap3A_62], %gather3A_59 {strides = array<i32>} : memref<4x80xi32, #tpu.memory_space<vmem>>, vector<16xi32>,
    %get3A_64 = arith.constant 0 : index
    %get3A_65 = tpu.vector_load %arg11[%get3A_64] {strides = array<i32>} : memref<80xi32, #tpu.memory_space<vmem>>, vector<16xi32>,
    %add3A_66 = arith.constant 8 : i32
    %add3A_67 = vector.broadcast %add3A_66 : i32 to vector<16xi32>
    %add3A_68 = arith.addi %add3A_67, %get3A_65 : vector<16xi32>
    %get3A_69 = arith.constant 0 : index
    %get3A_70 = tpu.vector_load %arg12[%get3A_69] {strides = array<i32>} : memref<80xi32, #tpu.memory_space<vmem>>, vector<16xi32>,
    %gather3A_71 = tpu.vector_load_idx %arg16[%add3A_68, %get3A_70] : memref<32x64xi32, #tpu.memory_space<vmem>>[vector<16xi32>, vector<16xi32>], vector<16xi32>,
    %swap3A_72 = arith.constant 1 : i32
    %swap3A_73 = arith.index_cast %swap3A_72 : i32 to index
    %swap3A_74 = arith.constant 0 : index
    %swap3A_75 = tpu.vector_load %arg17[%swap3A_73, %swap3A_74] {strides = array<i32>} : memref<4x80xi32, #tpu.memory_space<vmem>>, vector<16xi32>,
    tpu.vector_store %arg17[%swap3A_73, %swap3A_74], %gather3A_71 {strides = array<i32>} : memref<4x80xi32, #tpu.memory_space<vmem>>, vector<16xi32>,
    %get3A_76 = arith.constant 16 : index
    %get3A_77 = tpu.vector_load %arg11[%get3A_76] {strides = array<i32>} : memref<80xi32, #tpu.memory_space<vmem>>, vector<16xi32>,
    %add3A_78 = arith.constant 8 : i32
    %add3A_79 = vector.broadcast %add3A_78 : i32 to vector<16xi32>
    %add3A_80 = arith.addi %add3A_79, %get3A_77 : vector<16xi32>
    %get3A_81 = arith.constant 16 : index
    %get3A_82 = tpu.vector_load %arg12[%get3A_81] {strides = array<i32>} : memref<80xi32, #tpu.memory_space<vmem>>, vector<16xi32>,
    %gather3A_83 = tpu.vector_load_idx %arg16[%add3A_80, %get3A_82] : memref<32x64xi32, #tpu.memory_space<vmem>>[vector<16xi32>, vector<16xi32>], vector<16xi32>,
    %swap3A_84 = arith.constant 1 : i32
    %swap3A_85 = arith.index_cast %swap3A_84 : i32 to index
    %swap3A_86 = arith.constant 16 : index
    %swap3A_87 = tpu.vector_load %arg17[%swap3A_85, %swap3A_86] {strides = array<i32>} : memref<4x80xi32, #tpu.memory_space<vmem>>, vector<16xi32>,
    tpu.vector_store %arg17[%swap3A_85, %swap3A_86], %gather3A_83 {strides = array<i32>} : memref<4x80xi32, #tpu.memory_space<vmem>>, vector<16xi32>,
    %get3A_88 = arith.constant 32 : index
    %get3A_89 = tpu.vector_load %arg11[%get3A_88] {strides = array<i32>} : memref<80xi32, #tpu.memory_space<vmem>>, vector<16xi32>,
    %add3A_90 = arith.constant 8 : i32
    %add3A_91 = vector.broadcast %add3A_90 : i32 to vector<16xi32>
    %add3A_92 = arith.addi %add3A_91, %get3A_89 : vector<16xi32>
    %get3A_93 = arith.constant 32 : index
    %get3A_94 = tpu.vector_load %arg12[%get3A_93] {strides = array<i32>} : memref<80xi32, #tpu.memory_space<vmem>>, vector<16xi32>,
    %gather3A_95 = tpu.vector_load_idx %arg16[%add3A_92, %get3A_94] : memref<32x64xi32, #tpu.memory_space<vmem>>[vector<16xi32>, vector<16xi32>], vector<16xi32>,
    %swap3A_96 = arith.constant 1 : i32
    %swap3A_97 = arith.index_cast %swap3A_96 : i32 to index
    %swap3A_98 = arith.constant 32 : index
    %swap3A_99 = tpu.vector_load %arg17[%swap3A_97, %swap3A_98] {strides = array<i32>} : memref<4x80xi32, #tpu.memory_space<vmem>>, vector<16xi32>,
    tpu.vector_store %arg17[%swap3A_97, %swap3A_98], %gather3A_95 {strides = array<i32>} : memref<4x80xi32, #tpu.memory_space<vmem>>, vector<16xi32>,
    %get3A_100 = arith.constant 48 : index
    %get3A_101 = tpu.vector_load %arg11[%get3A_100] {strides = array<i32>} : memref<80xi32, #tpu.memory_space<vmem>>, vector<16xi32>,
    %add3A_102 = arith.constant 8 : i32
    %add3A_103 = vector.broadcast %add3A_102 : i32 to vector<16xi32>
    %add3A_104 = arith.addi %add3A_103, %get3A_101 : vector<16xi32>
    %get3A_105 = arith.constant 48 : index
    %get3A_106 = tpu.vector_load %arg12[%get3A_105] {strides = array<i32>} : memref<80xi32, #tpu.memory_space<vmem>>, vector<16xi32>,
    %gather3A_107 = tpu.vector_load_idx %arg16[%add3A_104, %get3A_106] : memref<32x64xi32, #tpu.memory_space<vmem>>[vector<16xi32>, vector<16xi32>], vector<16xi32>,
    %swap3A_108 = arith.constant 1 : i32
    %swap3A_109 = arith.index_cast %swap3A_108 : i32 to index
    %swap3A_110 = arith.constant 48 : index
    %swap3A_111 = tpu.vector_load %arg17[%swap3A_109, %swap3A_110] {strides = array<i32>} : memref<4x80xi32, #tpu.memory_space<vmem>>, vector<16xi32>,
    tpu.vector_store %arg17[%swap3A_109, %swap3A_110], %gather3A_107 {strides = array<i32>} : memref<4x80xi32, #tpu.memory_space<vmem>>, vector<16xi32>,
    %get3A_112 = arith.constant 64 : index
    %get3A_113 = tpu.vector_load %arg11[%get3A_112] {strides = array<i32>} : memref<80xi32, #tpu.memory_space<vmem>>, vector<16xi32>,
    %add3A_114 = arith.constant 8 : i32
    %add3A_115 = vector.broadcast %add3A_114 : i32 to vector<16xi32>
    %add3A_116 = arith.addi %add3A_115, %get3A_113 : vector<16xi32>
    %get3A_117 = arith.constant 64 : index
    %get3A_118 = tpu.vector_load %arg12[%get3A_117] {strides = array<i32>} : memref<80xi32, #tpu.memory_space<vmem>>, vector<16xi32>,
    %gather3A_119 = tpu.vector_load_idx %arg16[%add3A_116, %get3A_118] : memref<32x64xi32, #tpu.memory_space<vmem>>[vector<16xi32>, vector<16xi32>], vector<16xi32>,
    %swap3A_120 = arith.constant 1 : i32
    %swap3A_121 = arith.index_cast %swap3A_120 : i32 to index
    %swap3A_122 = arith.constant 64 : index
    %swap3A_123 = tpu.vector_load %arg17[%swap3A_121, %swap3A_122] {strides = array<i32>} : memref<4x80xi32, #tpu.memory_space<vmem>>, vector<16xi32>,
    tpu.vector_store %arg17[%swap3A_121, %swap3A_122], %gather3A_119 {strides = array<i32>} : memref<4x80xi32, #tpu.memory_space<vmem>>, vector<16xi32>,
    %get3A_124 = arith.constant 0 : index
    %get3A_125 = tpu.vector_load %arg11[%get3A_124] {strides = array<i32>} : memref<80xi32, #tpu.memory_space<vmem>>, vector<16xi32>,
    %add3A_126 = arith.constant 16 : i32
    %add3A_127 = vector.broadcast %add3A_126 : i32 to vector<16xi32>
    %add3A_128 = arith.addi %add3A_127, %get3A_125 : vector<16xi32>
    %get3A_129 = arith.constant 0 : index
    %get3A_130 = tpu.vector_load %arg12[%get3A_129] {strides = array<i32>} : memref<80xi32, #tpu.memory_space<vmem>>, vector<16xi32>,
    %gather3A_131 = tpu.vector_load_idx %arg16[%add3A_128, %get3A_130] : memref<32x64xi32, #tpu.memory_space<vmem>>[vector<16xi32>, vector<16xi32>], vector<16xi32>,
    %swap3A_132 = arith.constant 2 : i32
    %swap3A_133 = arith.index_cast %swap3A_132 : i32 to index
    %swap3A_134 = arith.constant 0 : index
    %swap3A_135 = tpu.vector_load %arg17[%swap3A_133, %swap3A_134] {strides = array<i32>} : memref<4x80xi32, #tpu.memory_space<vmem>>, vector<16xi32>,
    tpu.vector_store %arg17[%swap3A_133, %swap3A_134], %gather3A_131 {strides = array<i32>} : memref<4x80xi32, #tpu.memory_space<vmem>>, vector<16xi32>,
    %get3A_136 = arith.constant 16 : index
    %get3A_137 = tpu.vector_load %arg11[%get3A_136] {strides = array<i32>} : memref<80xi32, #tpu.memory_space<vmem>>, vector<16xi32>,
    %add3A_138 = arith.constant 16 : i32
    %add3A_139 = vector.broadcast %add3A_138 : i32 to vector<16xi32>
    %add3A_140 = arith.addi %add3A_139, %get3A_137 : vector<16xi32>
    %get3A_141 = arith.constant 16 : index
    %get3A_142 = tpu.vector_load %arg12[%get3A_141] {strides = array<i32>} : memref<80xi32, #tpu.memory_space<vmem>>, vector<16xi32>,
    %gather3A_143 = tpu.vector_load_idx %arg16[%add3A_140, %get3A_142] : memref<32x64xi32, #tpu.memory_space<vmem>>[vector<16xi32>, vector<16xi32>], vector<16xi32>,
    %swap3A_144 = arith.constant 2 : i32
    %swap3A_145 = arith.index_cast %swap3A_144 : i32 to index
    %swap3A_146 = arith.constant 16 : index
    %swap3A_147 = tpu.vector_load %arg17[%swap3A_145, %swap3A_146] {strides = array<i32>} : memref<4x80xi32, #tpu.memory_space<vmem>>, vector<16xi32>,
    tpu.vector_store %arg17[%swap3A_145, %swap3A_146], %gather3A_143 {strides = array<i32>} : memref<4x80xi32, #tpu.memory_space<vmem>>, vector<16xi32>,
    %get3A_148 = arith.constant 32 : index
    %get3A_149 = tpu.vector_load %arg11[%get3A_148] {strides = array<i32>} : memref<80xi32, #tpu.memory_space<vmem>>, vector<16xi32>,
    %add3A_150 = arith.constant 16 : i32
    %add3A_151 = vector.broadcast %add3A_150 : i32 to vector<16xi32>
    %add3A_152 = arith.addi %add3A_151, %get3A_149 : vector<16xi32>
    %get3A_153 = arith.constant 32 : index
    %get3A_154 = tpu.vector_load %arg12[%get3A_153] {strides = array<i32>} : memref<80xi32, #tpu.memory_space<vmem>>, vector<16xi32>,
    %gather3A_155 = tpu.vector_load_idx %arg16[%add3A_152, %get3A_154] : memref<32x64xi32, #tpu.memory_space<vmem>>[vector<16xi32>, vector<16xi32>], vector<16xi32>,
    %swap3A_156 = arith.constant 2 : i32
    %swap3A_157 = arith.index_cast %swap3A_156 : i32 to index
    %swap3A_158 = arith.constant 32 : index
    %swap3A_159 = tpu.vector_load %arg17[%swap3A_157, %swap3A_158] {strides = array<i32>} : memref<4x80xi32, #tpu.memory_space<vmem>>, vector<16xi32>,
    tpu.vector_store %arg17[%swap3A_157, %swap3A_158], %gather3A_155 {strides = array<i32>} : memref<4x80xi32, #tpu.memory_space<vmem>>, vector<16xi32>,
    %get3A_160 = arith.constant 48 : index
    %get3A_161 = tpu.vector_load %arg11[%get3A_160] {strides = array<i32>} : memref<80xi32, #tpu.memory_space<vmem>>, vector<16xi32>,
    %add3A_162 = arith.constant 16 : i32
    %add3A_163 = vector.broadcast %add3A_162 : i32 to vector<16xi32>
    %add3A_164 = arith.addi %add3A_163, %get3A_161 : vector<16xi32>
    %get3A_165 = arith.constant 48 : index
    %get3A_166 = tpu.vector_load %arg12[%get3A_165] {strides = array<i32>} : memref<80xi32, #tpu.memory_space<vmem>>, vector<16xi32>,
    %gather3A_167 = tpu.vector_load_idx %arg16[%add3A_164, %get3A_166] : memref<32x64xi32, #tpu.memory_space<vmem>>[vector<16xi32>, vector<16xi32>], vector<16xi32>,
    %swap3A_168 = arith.constant 2 : i32
    %swap3A_169 = arith.index_cast %swap3A_168 : i32 to index
    %swap3A_170 = arith.constant 48 : index
    %swap3A_171 = tpu.vector_load %arg17[%swap3A_169, %swap3A_170] {strides = array<i32>} : memref<4x80xi32, #tpu.memory_space<vmem>>, vector<16xi32>,
    tpu.vector_store %arg17[%swap3A_169, %swap3A_170], %gather3A_167 {strides = array<i32>} : memref<4x80xi32, #tpu.memory_space<vmem>>, vector<16xi32>,
    %get3A_172 = arith.constant 64 : index
    %get3A_173 = tpu.vector_load %arg11[%get3A_172] {strides = array<i32>} : memref<80xi32, #tpu.memory_space<vmem>>, vector<16xi32>,
    %add3A_174 = arith.constant 16 : i32
    %add3A_175 = vector.broadcast %add3A_174 : i32 to vector<16xi32>
    %add3A_176 = arith.addi %add3A_175, %get3A_173 : vector<16xi32>
    %get3A_177 = arith.constant 64 : index
    %get3A_178 = tpu.vector_load %arg12[%get3A_177] {strides = array<i32>} : memref<80xi32, #tpu.memory_space<vmem>>, vector<16xi32>,
    %gather3A_179 = tpu.vector_load_idx %arg16[%add3A_176, %get3A_178] : memref<32x64xi32, #tpu.memory_space<vmem>>[vector<16xi32>, vector<16xi32>], vector<16xi32>,
    %swap3A_180 = arith.constant 2 : i32
    %swap3A_181 = arith.index_cast %swap3A_180 : i32 to index
    %swap3A_182 = arith.constant 64 : index
    %swap3A_183 = tpu.vector_load %arg17[%swap3A_181, %swap3A_182] {strides = array<i32>} : memref<4x80xi32, #tpu.memory_space<vmem>>, vector<16xi32>,
    tpu.vector_store %arg17[%swap3A_181, %swap3A_182], %gather3A_179 {strides = array<i32>} : memref<4x80xi32, #tpu.memory_space<vmem>>, vector<16xi32>,
    %get3A_184 = arith.constant 0 : index
    %get3A_185 = tpu.vector_load %arg11[%get3A_184] {strides = array<i32>} : memref<80xi32, #tpu.memory_space<vmem>>, vector<16xi32>,
    %add3A_186 = arith.constant 24 : i32
    %add3A_187 = vector.broadcast %add3A_186 : i32 to vector<16xi32>
    %add3A_188 = arith.addi %add3A_187, %get3A_185 : vector<16xi32>
    %get3A_189 = arith.constant 0 : index
    %get3A_190 = tpu.vector_load %arg12[%get3A_189] {strides = array<i32>} : memref<80xi32, #tpu.memory_space<vmem>>, vector<16xi32>,
    %gather3A_191 = tpu.vector_load_idx %arg16[%add3A_188, %get3A_190] : memref<32x64xi32, #tpu.memory_space<vmem>>[vector<16xi32>, vector<16xi32>], vector<16xi32>,
    %swap3A_192 = arith.constant 3 : i32
    %swap3A_193 = arith.index_cast %swap3A_192 : i32 to index
    %swap3A_194 = arith.constant 0 : index
    %swap3A_195 = tpu.vector_load %arg17[%swap3A_193, %swap3A_194] {strides = array<i32>} : memref<4x80xi32, #tpu.memory_space<vmem>>, vector<16xi32>,
    tpu.vector_store %arg17[%swap3A_193, %swap3A_194], %gather3A_191 {strides = array<i32>} : memref<4x80xi32, #tpu.memory_space<vmem>>, vector<16xi32>,
    %get3A_196 = arith.constant 16 : index
    %get3A_197 = tpu.vector_load %arg11[%get3A_196] {strides = array<i32>} : memref<80xi32, #tpu.memory_space<vmem>>, vector<16xi32>,
    %add3A_198 = arith.constant 24 : i32
    %add3A_199 = vector.broadcast %add3A_198 : i32 to vector<16xi32>
    %add3A_200 = arith.addi %add3A_199, %get3A_197 : vector<16xi32>
    %get3A_201 = arith.constant 16 : index
    %get3A_202 = tpu.vector_load %arg12[%get3A_201] {strides = array<i32>} : memref<80xi32, #tpu.memory_space<vmem>>, vector<16xi32>,
    %gather3A_203 = tpu.vector_load_idx %arg16[%add3A_200, %get3A_202] : memref<32x64xi32, #tpu.memory_space<vmem>>[vector<16xi32>, vector<16xi32>], vector<16xi32>,
    %swap3A_204 = arith.constant 3 : i32
    %swap3A_205 = arith.index_cast %swap3A_204 : i32 to index
    %swap3A_206 = arith.constant 16 : index
    %swap3A_207 = tpu.vector_load %arg17[%swap3A_205, %swap3A_206] {strides = array<i32>} : memref<4x80xi32, #tpu.memory_space<vmem>>, vector<16xi32>,
    tpu.vector_store %arg17[%swap3A_205, %swap3A_206], %gather3A_203 {strides = array<i32>} : memref<4x80xi32, #tpu.memory_space<vmem>>, vector<16xi32>,
    %get3A_208 = arith.constant 32 : index
    %get3A_209 = tpu.vector_load %arg11[%get3A_208] {strides = array<i32>} : memref<80xi32, #tpu.memory_space<vmem>>, vector<16xi32>,
    %add3A_210 = arith.constant 24 : i32
    %add3A_211 = vector.broadcast %add3A_210 : i32 to vector<16xi32>
    %add3A_212 = arith.addi %add3A_211, %get3A_209 : vector<16xi32>
    %get3A_213 = arith.constant 32 : index
    %get3A_214 = tpu.vector_load %arg12[%get3A_213] {strides = array<i32>} : memref<80xi32, #tpu.memory_space<vmem>>, vector<16xi32>,
    %gather3A_215 = tpu.vector_load_idx %arg16[%add3A_212, %get3A_214] : memref<32x64xi32, #tpu.memory_space<vmem>>[vector<16xi32>, vector<16xi32>], vector<16xi32>,
    %swap3A_216 = arith.constant 3 : i32
    %swap3A_217 = arith.index_cast %swap3A_216 : i32 to index
    %swap3A_218 = arith.constant 32 : index
    %swap3A_219 = tpu.vector_load %arg17[%swap3A_217, %swap3A_218] {strides = array<i32>} : memref<4x80xi32, #tpu.memory_space<vmem>>, vector<16xi32>,
    tpu.vector_store %arg17[%swap3A_217, %swap3A_218], %gather3A_215 {strides = array<i32>} : memref<4x80xi32, #tpu.memory_space<vmem>>, vector<16xi32>,
    %get3A_220 = arith.constant 48 : index
    %get3A_221 = tpu.vector_load %arg11[%get3A_220] {strides = array<i32>} : memref<80xi32, #tpu.memory_space<vmem>>, vector<16xi32>,
    %add3A_222 = arith.constant 24 : i32
    %add3A_223 = vector.broadcast %add3A_222 : i32 to vector<16xi32>
    %add3A_224 = arith.addi %add3A_223, %get3A_221 : vector<16xi32>
    %get3A_225 = arith.constant 48 : index
    %get3A_226 = tpu.vector_load %arg12[%get3A_225] {strides = array<i32>} : memref<80xi32, #tpu.memory_space<vmem>>, vector<16xi32>,
    %gather3A_227 = tpu.vector_load_idx %arg16[%add3A_224, %get3A_226] : memref<32x64xi32, #tpu.memory_space<vmem>>[vector<16xi32>, vector<16xi32>], vector<16xi32>,
    %swap3A_228 = arith.constant 3 : i32
    %swap3A_229 = arith.index_cast %swap3A_228 : i32 to index
    %swap3A_230 = arith.constant 48 : index
    %swap3A_231 = tpu.vector_load %arg17[%swap3A_229, %swap3A_230] {strides = array<i32>} : memref<4x80xi32, #tpu.memory_space<vmem>>, vector<16xi32>,
    tpu.vector_store %arg17[%swap3A_229, %swap3A_230], %gather3A_227 {strides = array<i32>} : memref<4x80xi32, #tpu.memory_space<vmem>>, vector<16xi32>,
    %get3A_232 = arith.constant 64 : index
    %get3A_233 = tpu.vector_load %arg11[%get3A_232] {strides = array<i32>} : memref<80xi32, #tpu.memory_space<vmem>>, vector<16xi32>,
    %add3A_234 = arith.constant 24 : i32
    %add3A_235 = vector.broadcast %add3A_234 : i32 to vector<16xi32>
    %add3A_236 = arith.addi %add3A_235, %get3A_233 : vector<16xi32>
    %get3A_237 = arith.constant 64 : index
    %get3A_238 = tpu.vector_load %arg12[%get3A_237] {strides = array<i32>} : memref<80xi32, #tpu.memory_space<vmem>>, vector<16xi32>,
    %gather3A_239 = tpu.vector_load_idx %arg16[%add3A_236, %get3A_238] : memref<32x64xi32, #tpu.memory_space<vmem>>[vector<16xi32>, vector<16xi32>], vector<16xi32>,
    %swap3A_240 = arith.constant 3 : i32
    %swap3A_241 = arith.index_cast %swap3A_240 : i32 to index
    %swap3A_242 = arith.constant 64 : index
    %swap3A_243 = tpu.vector_load %arg17[%swap3A_241, %swap3A_242] {strides = array<i32>} : memref<4x80xi32, #tpu.memory_space<vmem>>, vector<16xi32>,
    tpu.vector_store %arg17[%swap3A_241, %swap3A_242], %gather3A_239 {strides = array<i32>} : memref<4x80xi32, #tpu.memory_space<vmem>>, vector<16xi32>,
    %mul3A_244 = arith.constant 320 : i32
    %mul3A_245 = arith.muli %add3A, %mul3A_244 : i32
    %add3A_246 = arith.constant 0 : i32
    %add3A_247 = arith.addi %mul3A_245, %add3A_246 : i32
    %multiple_of3A_248 = tpu.assume_multiple %add3A_247, 80 : i32
    %run_scoped3A = arith.constant 0 : i32
    "tpu.region"() ({
      %run_scoped3A_355 = tpu.sem_alloc : memref<!tpu.dma_semaphore, #tpu.memory_space<semaphore_mem>>
      %dma_start3A_356 = arith.constant 0 : i32
      %dma_start3A_357 = tpu.memref_slice %arg17[%run_scoped3A, %dma_start3A_356] : memref<4x80xi32, #tpu.memory_space<vmem>> -> memref<1x80xi32, #tpu.memory_space<vmem>>
      %dma_start3A_358 = tpu.memref_squeeze %dma_start3A_357 : memref<1x80xi32, #tpu.memory_space<vmem>> -> memref<80xi32, #tpu.memory_space<vmem>>
      %dma_start3A_359 = tpu.memref_slice %arg9[%multiple_of3A_248] : memref<10240xi32, #tpu.memory_space<hbm>> -> memref<80xi32, #tpu.memory_space<hbm>>
      %dma_start3A_360 = tpu.memref_slice %arg9[%multiple_of3A_248] : memref<10240xi32, #tpu.memory_space<hbm>> -> memref<80xi32, #tpu.memory_space<hbm>>
      %dma_start3A_361 = arith.constant 0 : i32
      %dma_start3A_362 = tpu.memref_slice %arg17[%run_scoped3A, %dma_start3A_361] : memref<4x80xi32, #tpu.memory_space<vmem>> -> memref<1x80xi32, #tpu.memory_space<vmem>>
      %dma_start3A_363 = tpu.memref_squeeze %dma_start3A_362 : memref<1x80xi32, #tpu.memory_space<vmem>> -> memref<80xi32, #tpu.memory_space<vmem>>
      tpu.enqueue_dma source(%dma_start3A_363 : memref<80xi32, #tpu.memory_space<vmem>>) target(%dma_start3A_360 : memref<80xi32, #tpu.memory_space<hbm>>) target_semaphore(%run_scoped3A_355 : memref<!tpu.dma_semaphore, #tpu.memory_space<semaphore_mem>>)
      %dma_wait3A_364 = arith.constant 0 : i32
      %dma_wait3A_365 = tpu.memref_slice %arg17[%run_scoped3A, %dma_wait3A_364] : memref<4x80xi32, #tpu.memory_space<vmem>> -> memref<1x80xi32, #tpu.memory_space<vmem>>
      %dma_wait3A_366 = tpu.memref_squeeze %dma_wait3A_365 : memref<1x80xi32, #tpu.memory_space<vmem>> -> memref<80xi32, #tpu.memory_space<vmem>>
      %dma_wait3A_367 = tpu.memref_slice %arg9[%multiple_of3A_248] : memref<10240xi32, #tpu.memory_space<hbm>> -> memref<80xi32, #tpu.memory_space<hbm>>
      %dma_wait3A_368 = tpu.memref_slice %arg9[%multiple_of3A_248] : memref<10240xi32, #tpu.memory_space<hbm>> -> memref<80xi32, #tpu.memory_space<hbm>>
      %dma_wait3A_369 = arith.constant 0 : i32
      %dma_wait3A_370 = tpu.memref_slice %arg17[%run_scoped3A, %dma_wait3A_369] : memref<4x80xi32, #tpu.memory_space<vmem>> -> memref<1x80xi32, #tpu.memory_space<vmem>>
      %dma_wait3A_371 = tpu.memref_squeeze %dma_wait3A_370 : memref<1x80xi32, #tpu.memory_space<vmem>> -> memref<80xi32, #tpu.memory_space<vmem>>
      tpu.wait_dma2 semaphore(%run_scoped3A_355 : memref<!tpu.dma_semaphore, #tpu.memory_space<semaphore_mem>>) src(%dma_wait3A_371 : memref<80xi32, #tpu.memory_space<vmem>>) dst(%dma_wait3A_368 : memref<80xi32, #tpu.memory_space<hbm>>)
      tpu.yield
    }) : () -> ()
    %mul3A_249 = arith.constant 320 : i32
    %mul3A_250 = arith.muli %add3A, %mul3A_249 : i32
    %add3A_251 = arith.constant 80 : i32
    %add3A_252 = arith.addi %mul3A_250, %add3A_251 : i32
    %multiple_of3A_253 = tpu.assume_multiple %add3A_252, 80 : i32
    %run_scoped3A_254 = arith.constant 1 : i32
    "tpu.region"() ({
      %run_scoped3A_355 = tpu.sem_alloc : memref<!tpu.dma_semaphore, #tpu.memory_space<semaphore_mem>>
      %dma_start3A_356 = arith.constant 0 : i32
      %dma_start3A_357 = tpu.memref_slice %arg17[%run_scoped3A_254, %dma_start3A_356] : memref<4x80xi32, #tpu.memory_space<vmem>> -> memref<1x80xi32, #tpu.memory_space<vmem>>
      %dma_start3A_358 = tpu.memref_squeeze %dma_start3A_357 : memref<1x80xi32, #tpu.memory_space<vmem>> -> memref<80xi32, #tpu.memory_space<vmem>>
      %dma_start3A_359 = tpu.memref_slice %arg9[%multiple_of3A_253] : memref<10240xi32, #tpu.memory_space<hbm>> -> memref<80xi32, #tpu.memory_space<hbm>>
      %dma_start3A_360 = tpu.memref_slice %arg9[%multiple_of3A_253] : memref<10240xi32, #tpu.memory_space<hbm>> -> memref<80xi32, #tpu.memory_space<hbm>>
      %dma_start3A_361 = arith.constant 0 : i32
      %dma_start3A_362 = tpu.memref_slice %arg17[%run_scoped3A_254, %dma_start3A_361] : memref<4x80xi32, #tpu.memory_space<vmem>> -> memref<1x80xi32, #tpu.memory_space<vmem>>
      %dma_start3A_363 = tpu.memref_squeeze %dma_start3A_362 : memref<1x80xi32, #tpu.memory_space<vmem>> -> memref<80xi32, #tpu.memory_space<vmem>>
      tpu.enqueue_dma source(%dma_start3A_363 : memref<80xi32, #tpu.memory_space<vmem>>) target(%dma_start3A_360 : memref<80xi32, #tpu.memory_space<hbm>>) target_semaphore(%run_scoped3A_355 : memref<!tpu.dma_semaphore, #tpu.memory_space<semaphore_mem>>)
      %dma_wait3A_364 = arith.constant 0 : i32
      %dma_wait3A_365 = tpu.memref_slice %arg17[%run_scoped3A_254, %dma_wait3A_364] : memref<4x80xi32, #tpu.memory_space<vmem>> -> memref<1x80xi32, #tpu.memory_space<vmem>>
      %dma_wait3A_366 = tpu.memref_squeeze %dma_wait3A_365 : memref<1x80xi32, #tpu.memory_space<vmem>> -> memref<80xi32, #tpu.memory_space<vmem>>
      %dma_wait3A_367 = tpu.memref_slice %arg9[%multiple_of3A_253] : memref<10240xi32, #tpu.memory_space<hbm>> -> memref<80xi32, #tpu.memory_space<hbm>>
      %dma_wait3A_368 = tpu.memref_slice %arg9[%multiple_of3A_253] : memref<10240xi32, #tpu.memory_space<hbm>> -> memref<80xi32, #tpu.memory_space<hbm>>
      %dma_wait3A_369 = arith.constant 0 : i32
      %dma_wait3A_370 = tpu.memref_slice %arg17[%run_scoped3A_254, %dma_wait3A_369] : memref<4x80xi32, #tpu.memory_space<vmem>> -> memref<1x80xi32, #tpu.memory_space<vmem>>
      %dma_wait3A_371 = tpu.memref_squeeze %dma_wait3A_370 : memref<1x80xi32, #tpu.memory_space<vmem>> -> memref<80xi32, #tpu.memory_space<vmem>>
      tpu.wait_dma2 semaphore(%run_scoped3A_355 : memref<!tpu.dma_semaphore, #tpu.memory_space<semaphore_mem>>) src(%dma_wait3A_371 : memref<80xi32, #tpu.memory_space<vmem>>) dst(%dma_wait3A_368 : memref<80xi32, #tpu.memory_space<hbm>>)
      tpu.yield
    }) : () -> ()
    %mul3A_255 = arith.constant 320 : i32
    %mul3A_256 = arith.muli %add3A, %mul3A_255 : i32
    %add3A_257 = arith.constant 160 : i32
    %add3A_258 = arith.addi %mul3A_256, %add3A_257 : i32
    %multiple_of3A_259 = tpu.assume_multiple %add3A_258, 80 : i32
    %run_scoped3A_260 = arith.constant 2 : i32
    "tpu.region"() ({
      %run_scoped3A_355 = tpu.sem_alloc : memref<!tpu.dma_semaphore, #tpu.memory_space<semaphore_mem>>
      %dma_start3A_356 = arith.constant 0 : i32
      %dma_start3A_357 = tpu.memref_slice %arg17[%run_scoped3A_260, %dma_start3A_356] : memref<4x80xi32, #tpu.memory_space<vmem>> -> memref<1x80xi32, #tpu.memory_space<vmem>>
      %dma_start3A_358 = tpu.memref_squeeze %dma_start3A_357 : memref<1x80xi32, #tpu.memory_space<vmem>> -> memref<80xi32, #tpu.memory_space<vmem>>
      %dma_start3A_359 = tpu.memref_slice %arg9[%multiple_of3A_259] : memref<10240xi32, #tpu.memory_space<hbm>> -> memref<80xi32, #tpu.memory_space<hbm>>
      %dma_start3A_360 = tpu.memref_slice %arg9[%multiple_of3A_259] : memref<10240xi32, #tpu.memory_space<hbm>> -> memref<80xi32, #tpu.memory_space<hbm>>
      %dma_start3A_361 = arith.constant 0 : i32
      %dma_start3A_362 = tpu.memref_slice %arg17[%run_scoped3A_260, %dma_start3A_361] : memref<4x80xi32, #tpu.memory_space<vmem>> -> memref<1x80xi32, #tpu.memory_space<vmem>>
      %dma_start3A_363 = tpu.memref_squeeze %dma_start3A_362 : memref<1x80xi32, #tpu.memory_space<vmem>> -> memref<80xi32, #tpu.memory_space<vmem>>
      tpu.enqueue_dma source(%dma_start3A_363 : memref<80xi32, #tpu.memory_space<vmem>>) target(%dma_start3A_360 : memref<80xi32, #tpu.memory_space<hbm>>) target_semaphore(%run_scoped3A_355 : memref<!tpu.dma_semaphore, #tpu.memory_space<semaphore_mem>>)
      %dma_wait3A_364 = arith.constant 0 : i32
      %dma_wait3A_365 = tpu.memref_slice %arg17[%run_scoped3A_260, %dma_wait3A_364] : memref<4x80xi32, #tpu.memory_space<vmem>> -> memref<1x80xi32, #tpu.memory_space<vmem>>
      %dma_wait3A_366 = tpu.memref_squeeze %dma_wait3A_365 : memref<1x80xi32, #tpu.memory_space<vmem>> -> memref<80xi32, #tpu.memory_space<vmem>>
      %dma_wait3A_367 = tpu.memref_slice %arg9[%multiple_of3A_259] : memref<10240xi32, #tpu.memory_space<hbm>> -> memref<80xi32, #tpu.memory_space<hbm>>
      %dma_wait3A_368 = tpu.memref_slice %arg9[%multiple_of3A_259] : memref<10240xi32, #tpu.memory_space<hbm>> -> memref<80xi32, #tpu.memory_space<hbm>>
      %dma_wait3A_369 = arith.constant 0 : i32
      %dma_wait3A_370 = tpu.memref_slice %arg17[%run_scoped3A_260, %dma_wait3A_369] : memref<4x80xi32, #tpu.memory_space<vmem>> -> memref<1x80xi32, #tpu.memory_space<vmem>>
      %dma_wait3A_371 = tpu.memref_squeeze %dma_wait3A_370 : memref<1x80xi32, #tpu.memory_space<vmem>> -> memref<80xi32, #tpu.memory_space<vmem>>
      tpu.wait_dma2 semaphore(%run_scoped3A_355 : memref<!tpu.dma_semaphore, #tpu.memory_space<semaphore_mem>>) src(%dma_wait3A_371 : memref<80xi32, #tpu.memory_space<vmem>>) dst(%dma_wait3A_368 : memref<80xi32, #tpu.memory_space<hbm>>)
      tpu.yield
    }) : () -> ()
    %mul3A_261 = arith.constant 320 : i32
    %mul3A_262 = arith.muli %add3A, %mul3A_261 : i32
    %add3A_263 = arith.constant 240 : i32
    %add3A_264 = arith.addi %mul3A_262, %add3A_263 : i32
    %multiple_of3A_265 = tpu.assume_multiple %add3A_264, 80 : i32
    %run_scoped3A_266 = arith.constant 3 : i32
    "tpu.region"() ({
      %run_scoped3A_355 = tpu.sem_alloc : memref<!tpu.dma_semaphore, #tpu.memory_space<semaphore_mem>>
      %dma_start3A_356 = arith.constant 0 : i32
      %dma_start3A_357 = tpu.memref_slice %arg17[%run_scoped3A_266, %dma_start3A_356] : memref<4x80xi32, #tpu.memory_space<vmem>> -> memref<1x80xi32, #tpu.memory_space<vmem>>
      %dma_start3A_358 = tpu.memref_squeeze %dma_start3A_357 : memref<1x80xi32, #tpu.memory_space<vmem>> -> memref<80xi32, #tpu.memory_space<vmem>>
      %dma_start3A_359 = tpu.memref_slice %arg9[%multiple_of3A_265] : memref<10240xi32, #tpu.memory_space<hbm>> -> memref<80xi32, #tpu.memory_space<hbm>>
      %dma_start3A_360 = tpu.memref_slice %arg9[%multiple_of3A_265] : memref<10240xi32, #tpu.memory_space<hbm>> -> memref<80xi32, #tpu.memory_space<hbm>>
      %dma_start3A_361 = arith.constant 0 : i32
      %dma_start3A_362 = tpu.memref_slice %arg17[%run_scoped3A_266, %dma_start3A_361] : memref<4x80xi32, #tpu.memory_space<vmem>> -> memref<1x80xi32, #tpu.memory_space<vmem>>
      %dma_start3A_363 = tpu.memref_squeeze %dma_start3A_362 : memref<1x80xi32, #tpu.memory_space<vmem>> -> memref<80xi32, #tpu.memory_space<vmem>>
      tpu.enqueue_dma source(%dma_start3A_363 : memref<80xi32, #tpu.memory_space<vmem>>) target(%dma_start3A_360 : memref<80xi32, #tpu.memory_space<hbm>>) target_semaphore(%run_scoped3A_355 : memref<!tpu.dma_semaphore, #tpu.memory_space<semaphore_mem>>)
      %dma_wait3A_364 = arith.constant 0 : i32
      %dma_wait3A_365 = tpu.memref_slice %arg17[%run_scoped3A_266, %dma_wait3A_364] : memref<4x80xi32, #tpu.memory_space<vmem>> -> memref<1x80xi32, #tpu.memory_space<vmem>>
      %dma_wait3A_366 = tpu.memref_squeeze %dma_wait3A_365 : memref<1x80xi32, #tpu.memory_space<vmem>> -> memref<80xi32, #tpu.memory_space<vmem>>
      %dma_wait3A_367 = tpu.memref_slice %arg9[%multiple_of3A_265] : memref<10240xi32, #tpu.memory_space<hbm>> -> memref<80xi32, #tpu.memory_space<hbm>>
      %dma_wait3A_368 = tpu.memref_slice %arg9[%multiple_of3A_265] : memref<10240xi32, #tpu.memory_space<hbm>> -> memref<80xi32, #tpu.memory_space<hbm>>
      %dma_wait3A_369 = arith.constant 0 : i32
      %dma_wait3A_370 = tpu.memref_slice %arg17[%run_scoped3A_266, %dma_wait3A_369] : memref<4x80xi32, #tpu.memory_space<vmem>> -> memref<1x80xi32, #tpu.memory_space<vmem>>
      %dma_wait3A_371 = tpu.memref_squeeze %dma_wait3A_370 : memref<1x80xi32, #tpu.memory_space<vmem>> -> memref<80xi32, #tpu.memory_space<vmem>>
      tpu.wait_dma2 semaphore(%run_scoped3A_355 : memref<!tpu.dma_semaphore, #tpu.memory_space<semaphore_mem>>) src(%dma_wait3A_371 : memref<80xi32, #tpu.memory_space<vmem>>) dst(%dma_wait3A_368 : memref<80xi32, #tpu.memory_space<hbm>>)
      tpu.yield
    }) : () -> ()
    %dma_start3A_267 = arith.constant 0 : i32
    %dma_start3A_268 = arith.constant 0 : i32
    %dma_start3A_269 = arith.constant 0 : i32
    %dma_start3A_270 = tpu.memref_slice %arg18[%dma_start3A_268, %dma_start3A_269] : memref<320x64xi32, #tpu.memory_space<vmem>> -> memref<80x64xi32, #tpu.memory_space<vmem>>
    %dma_start3A_271 = arith.constant 0 : i32
    %dma_start3A_272 = tpu.memref_slice %arg17[%dma_start3A_267, %dma_start3A_271] : memref<4x80xi32, #tpu.memory_space<vmem>> -> memref<1x80xi32, #tpu.memory_space<vmem>>
    %dma_start3A_273 = tpu.memref_squeeze %dma_start3A_272 : memref<1x80xi32, #tpu.memory_space<vmem>> -> memref<80xi32, #tpu.memory_space<vmem>>
    %dma_start3A_274 = arith.constant 0 : i32
    %dma_start3A_275 = arith.constant 0 : i32
    %dma_start3A_276 = tpu.memref_slice %arg3[%dma_start3A_274, %dma_start3A_275] : memref<100000x64xi32, #tpu.memory_space<hbm>> -> memref<100000x64xi32, #tpu.memory_space<hbm>>
    tpu.enqueue_indirect_dma source(%dma_start3A_276 : memref<100000x64xi32, #tpu.memory_space<hbm>>) target(%dma_start3A_270 : memref<80x64xi32, #tpu.memory_space<vmem>>) offsets(%dma_start3A_273 : memref<80xi32, #tpu.memory_space<vmem>>) semaphore(%arg20 : memref<!tpu.dma_semaphore, #tpu.memory_space<semaphore_mem>>)
    %dma_start3A_277 = arith.constant 1 : i32
    %dma_start3A_278 = arith.constant 80 : i32
    %dma_start3A_279 = arith.constant 0 : i32
    %dma_start3A_280 = tpu.memref_slice %arg18[%dma_start3A_278, %dma_start3A_279] : memref<320x64xi32, #tpu.memory_space<vmem>> -> memref<80x64xi32, #tpu.memory_space<vmem>>
    %dma_start3A_281 = arith.constant 0 : i32
    %dma_start3A_282 = tpu.memref_slice %arg17[%dma_start3A_277, %dma_start3A_281] : memref<4x80xi32, #tpu.memory_space<vmem>> -> memref<1x80xi32, #tpu.memory_space<vmem>>
    %dma_start3A_283 = tpu.memref_squeeze %dma_start3A_282 : memref<1x80xi32, #tpu.memory_space<vmem>> -> memref<80xi32, #tpu.memory_space<vmem>>
    %dma_start3A_284 = arith.constant 0 : i32
    %dma_start3A_285 = arith.constant 0 : i32
    %dma_start3A_286 = tpu.memref_slice %arg3[%dma_start3A_284, %dma_start3A_285] : memref<100000x64xi32, #tpu.memory_space<hbm>> -> memref<100000x64xi32, #tpu.memory_space<hbm>>
    tpu.enqueue_indirect_dma source(%dma_start3A_286 : memref<100000x64xi32, #tpu.memory_space<hbm>>) target(%dma_start3A_280 : memref<80x64xi32, #tpu.memory_space<vmem>>) offsets(%dma_start3A_283 : memref<80xi32, #tpu.memory_space<vmem>>) semaphore(%arg20 : memref<!tpu.dma_semaphore, #tpu.memory_space<semaphore_mem>>)
    %dma_start3A_287 = arith.constant 2 : i32
    %dma_start3A_288 = arith.constant 160 : i32
    %dma_start3A_289 = arith.constant 0 : i32
    %dma_start3A_290 = tpu.memref_slice %arg18[%dma_start3A_288, %dma_start3A_289] : memref<320x64xi32, #tpu.memory_space<vmem>> -> memref<80x64xi32, #tpu.memory_space<vmem>>
    %dma_start3A_291 = arith.constant 0 : i32
    %dma_start3A_292 = tpu.memref_slice %arg17[%dma_start3A_287, %dma_start3A_291] : memref<4x80xi32, #tpu.memory_space<vmem>> -> memref<1x80xi32, #tpu.memory_space<vmem>>
    %dma_start3A_293 = tpu.memref_squeeze %dma_start3A_292 : memref<1x80xi32, #tpu.memory_space<vmem>> -> memref<80xi32, #tpu.memory_space<vmem>>
    %dma_start3A_294 = arith.constant 0 : i32
    %dma_start3A_295 = arith.constant 0 : i32
    %dma_start3A_296 = tpu.memref_slice %arg3[%dma_start3A_294, %dma_start3A_295] : memref<100000x64xi32, #tpu.memory_space<hbm>> -> memref<100000x64xi32, #tpu.memory_space<hbm>>
    tpu.enqueue_indirect_dma source(%dma_start3A_296 : memref<100000x64xi32, #tpu.memory_space<hbm>>) target(%dma_start3A_290 : memref<80x64xi32, #tpu.memory_space<vmem>>) offsets(%dma_start3A_293 : memref<80xi32, #tpu.memory_space<vmem>>) semaphore(%arg20 : memref<!tpu.dma_semaphore, #tpu.memory_space<semaphore_mem>>)
    %dma_start3A_297 = arith.constant 3 : i32
    %dma_start3A_298 = arith.constant 240 : i32
    %dma_start3A_299 = arith.constant 0 : i32
    %dma_start3A_300 = tpu.memref_slice %arg18[%dma_start3A_298, %dma_start3A_299] : memref<320x64xi32, #tpu.memory_space<vmem>> -> memref<80x64xi32, #tpu.memory_space<vmem>>
    %dma_start3A_301 = arith.constant 0 : i32
    %dma_start3A_302 = tpu.memref_slice %arg17[%dma_start3A_297, %dma_start3A_301] : memref<4x80xi32, #tpu.memory_space<vmem>> -> memref<1x80xi32, #tpu.memory_space<vmem>>
    %dma_start3A_303 = tpu.memref_squeeze %dma_start3A_302 : memref<1x80xi32, #tpu.memory_space<vmem>> -> memref<80xi32, #tpu.memory_space<vmem>>
    %dma_start3A_304 = arith.constant 0 : i32
    %dma_start3A_305 = arith.constant 0 : i32
    %dma_start3A_306 = tpu.memref_slice %arg3[%dma_start3A_304, %dma_start3A_305] : memref<100000x64xi32, #tpu.memory_space<hbm>> -> memref<100000x64xi32, #tpu.memory_space<hbm>>
    tpu.enqueue_indirect_dma source(%dma_start3A_306 : memref<100000x64xi32, #tpu.memory_space<hbm>>) target(%dma_start3A_300 : memref<80x64xi32, #tpu.memory_space<vmem>>) offsets(%dma_start3A_303 : memref<80xi32, #tpu.memory_space<vmem>>) semaphore(%arg20 : memref<!tpu.dma_semaphore, #tpu.memory_space<semaphore_mem>>)
    %dma_wait3A_307 = arith.constant 0 : i32
    %dma_wait3A_308 = arith.constant 0 : i32
    %dma_wait3A_309 = arith.constant 0 : i32
    %dma_wait3A_310 = tpu.memref_slice %arg18[%dma_wait3A_308, %dma_wait3A_309] : memref<320x64xi32, #tpu.memory_space<vmem>> -> memref<80x64xi32, #tpu.memory_space<vmem>>
    %dma_wait3A_311 = arith.constant 0 : i32
    %dma_wait3A_312 = tpu.memref_slice %arg17[%dma_wait3A_307, %dma_wait3A_311] : memref<4x80xi32, #tpu.memory_space<vmem>> -> memref<1x80xi32, #tpu.memory_space<vmem>>
    %dma_wait3A_313 = tpu.memref_squeeze %dma_wait3A_312 : memref<1x80xi32, #tpu.memory_space<vmem>> -> memref<80xi32, #tpu.memory_space<vmem>>
    %dma_wait3A_314 = arith.constant 0 : i32
    %dma_wait3A_315 = arith.constant 0 : i32
    %dma_wait3A_316 = tpu.memref_slice %arg3[%dma_wait3A_314, %dma_wait3A_315] : memref<100000x64xi32, #tpu.memory_space<hbm>> -> memref<100000x64xi32, #tpu.memory_space<hbm>>
    tpu.wait_indirect_dma semaphore(%arg20 : memref<!tpu.dma_semaphore, #tpu.memory_space<semaphore_mem>>) src(%dma_wait3A_316 : memref<100000x64xi32, #tpu.memory_space<hbm>>) dst(%dma_wait3A_310 : memref<80x64xi32, #tpu.memory_space<vmem>>)
    %dma_wait3A_317 = arith.constant 1 : i32
    %dma_wait3A_318 = arith.constant 80 : i32
    %dma_wait3A_319 = arith.constant 0 : i32
    %dma_wait3A_320 = tpu.memref_slice %arg18[%dma_wait3A_318, %dma_wait3A_319] : memref<320x64xi32, #tpu.memory_space<vmem>> -> memref<80x64xi32, #tpu.memory_space<vmem>>
    %dma_wait3A_321 = arith.constant 0 : i32
    %dma_wait3A_322 = tpu.memref_slice %arg17[%dma_wait3A_317, %dma_wait3A_321] : memref<4x80xi32, #tpu.memory_space<vmem>> -> memref<1x80xi32, #tpu.memory_space<vmem>>
    %dma_wait3A_323 = tpu.memref_squeeze %dma_wait3A_322 : memref<1x80xi32, #tpu.memory_space<vmem>> -> memref<80xi32, #tpu.memory_space<vmem>>
    %dma_wait3A_324 = arith.constant 0 : i32
    %dma_wait3A_325 = arith.constant 0 : i32
    %dma_wait3A_326 = tpu.memref_slice %arg3[%dma_wait3A_324, %dma_wait3A_325] : memref<100000x64xi32, #tpu.memory_space<hbm>> -> memref<100000x64xi32, #tpu.memory_space<hbm>>
    tpu.wait_indirect_dma semaphore(%arg20 : memref<!tpu.dma_semaphore, #tpu.memory_space<semaphore_mem>>) src(%dma_wait3A_326 : memref<100000x64xi32, #tpu.memory_space<hbm>>) dst(%dma_wait3A_320 : memref<80x64xi32, #tpu.memory_space<vmem>>)
    %dma_wait3A_327 = arith.constant 2 : i32
    %dma_wait3A_328 = arith.constant 160 : i32
    %dma_wait3A_329 = arith.constant 0 : i32
    %dma_wait3A_330 = tpu.memref_slice %arg18[%dma_wait3A_328, %dma_wait3A_329] : memref<320x64xi32, #tpu.memory_space<vmem>> -> memref<80x64xi32, #tpu.memory_space<vmem>>
    %dma_wait3A_331 = arith.constant 0 : i32
    %dma_wait3A_332 = tpu.memref_slice %arg17[%dma_wait3A_327, %dma_wait3A_331] : memref<4x80xi32, #tpu.memory_space<vmem>> -> memref<1x80xi32, #tpu.memory_space<vmem>>
    %dma_wait3A_333 = tpu.memref_squeeze %dma_wait3A_332 : memref<1x80xi32, #tpu.memory_space<vmem>> -> memref<80xi32, #tpu.memory_space<vmem>>
    %dma_wait3A_334 = arith.constant 0 : i32
    %dma_wait3A_335 = arith.constant 0 : i32
    %dma_wait3A_336 = tpu.memref_slice %arg3[%dma_wait3A_334, %dma_wait3A_335] : memref<100000x64xi32, #tpu.memory_space<hbm>> -> memref<100000x64xi32, #tpu.memory_space<hbm>>
    tpu.wait_indirect_dma semaphore(%arg20 : memref<!tpu.dma_semaphore, #tpu.memory_space<semaphore_mem>>) src(%dma_wait3A_336 : memref<100000x64xi32, #tpu.memory_space<hbm>>) dst(%dma_wait3A_330 : memref<80x64xi32, #tpu.memory_space<vmem>>)
    %dma_wait3A_337 = arith.constant 3 : i32
    %dma_wait3A_338 = arith.constant 240 : i32
    %dma_wait3A_339 = arith.constant 0 : i32
    %dma_wait3A_340 = tpu.memref_slice %arg18[%dma_wait3A_338, %dma_wait3A_339] : memref<320x64xi32, #tpu.memory_space<vmem>> -> memref<80x64xi32, #tpu.memory_space<vmem>>
    %dma_wait3A_341 = arith.constant 0 : i32
    %dma_wait3A_342 = tpu.memref_slice %arg17[%dma_wait3A_337, %dma_wait3A_341] : memref<4x80xi32, #tpu.memory_space<vmem>> -> memref<1x80xi32, #tpu.memory_space<vmem>>
    %dma_wait3A_343 = tpu.memref_squeeze %dma_wait3A_342 : memref<1x80xi32, #tpu.memory_space<vmem>> -> memref<80xi32, #tpu.memory_space<vmem>>
    %dma_wait3A_344 = arith.constant 0 : i32
    %dma_wait3A_345 = arith.constant 0 : i32
    %dma_wait3A_346 = tpu.memref_slice %arg3[%dma_wait3A_344, %dma_wait3A_345] : memref<100000x64xi32, #tpu.memory_space<hbm>> -> memref<100000x64xi32, #tpu.memory_space<hbm>>
    tpu.wait_indirect_dma semaphore(%arg20 : memref<!tpu.dma_semaphore, #tpu.memory_space<semaphore_mem>>) src(%dma_wait3A_346 : memref<100000x64xi32, #tpu.memory_space<hbm>>) dst(%dma_wait3A_340 : memref<80x64xi32, #tpu.memory_space<vmem>>)
    %scan3A = arith.constant 0 : i32
    %scan3A_347 = arith.constant 0 : i32
    %scan3A_348 = arith.constant 20 : i32
    %scan3A_349 = arith.addi %scan3A_347, %scan3A_348 : i32
    %scan3A_350 = arith.constant 1 : i32
    scf.for %scan3A_355 = %scan3A_347 to %scan3A_349 step %scan3A_350  : i32 {
      %mul3A_356 = arith.constant 16 : i32
      %mul3A_357 = arith.muli %scan3A_355, %mul3A_356 : i32
      %get3A_358 = arith.constant 0 : index
      %get3A_359 = tpu.vector_load %arg13[%get3A_358] {strides = array<i32>} : memref<400xi32, #tpu.memory_space<vmem>>, vector<16xi32>,
      %add3A_360 = vector.broadcast %mul3A_357 : i32 to vector<16xi32>
      %add3A_361 = arith.addi %add3A_360, %get3A_359 : vector<16xi32>
      %get3A_362 = arith.constant 0 : index
      %get3A_363 = tpu.vector_load %arg14[%get3A_362] {strides = array<i32>} : memref<400xi32, #tpu.memory_space<vmem>>, vector<16xi32>,
      %gather3A_364 = tpu.vector_load_idx %arg18[%add3A_361, %get3A_363] : memref<320x64xi32, #tpu.memory_space<vmem>>[vector<16xi32>, vector<16xi32>], vector<16xi32>,
      %mul3A_365 = arith.constant 400 : i32
      %mul3A_366 = arith.muli %scan3A_355, %mul3A_365 : i32
      %add3A_367 = arith.constant 0 : i32
      %add3A_368 = arith.addi %mul3A_366, %add3A_367 : i32
      %swap3A_369 = arith.index_cast %add3A_368 : i32 to index
      %swap3A_370 = tpu.vector_load %arg19[%swap3A_369] {strides = array<i32>} : memref<8000xi32, #tpu.memory_space<vmem>>, vector<16xi32>,
      tpu.vector_store %arg19[%swap3A_369], %gather3A_364 {strides = array<i32>} : memref<8000xi32, #tpu.memory_space<vmem>>, vector<16xi32>,
      %mul3A_371 = arith.constant 16 : i32
      %mul3A_372 = arith.muli %scan3A_355, %mul3A_371 : i32
      %get3A_373 = arith.constant 16 : index
      %get3A_374 = tpu.vector_load %arg13[%get3A_373] {strides = array<i32>} : memref<400xi32, #tpu.memory_space<vmem>>, vector<16xi32>,
      %add3A_375 = vector.broadcast %mul3A_372 : i32 to vector<16xi32>
      %add3A_376 = arith.addi %add3A_375, %get3A_374 : vector<16xi32>
      %get3A_377 = arith.constant 16 : index
      %get3A_378 = tpu.vector_load %arg14[%get3A_377] {strides = array<i32>} : memref<400xi32, #tpu.memory_space<vmem>>, vector<16xi32>,
      %gather3A_379 = tpu.vector_load_idx %arg18[%add3A_376, %get3A_378] : memref<320x64xi32, #tpu.memory_space<vmem>>[vector<16xi32>, vector<16xi32>], vector<16xi32>,
      %mul3A_380 = arith.constant 400 : i32
      %mul3A_381 = arith.muli %scan3A_355, %mul3A_380 : i32
      %add3A_382 = arith.constant 16 : i32
      %add3A_383 = arith.addi %mul3A_381, %add3A_382 : i32
      %swap3A_384 = arith.index_cast %add3A_383 : i32 to index
      %swap3A_385 = tpu.vector_load %arg19[%swap3A_384] {strides = array<i32>} : memref<8000xi32, #tpu.memory_space<vmem>>, vector<16xi32>,
      tpu.vector_store %arg19[%swap3A_384], %gather3A_379 {strides = array<i32>} : memref<8000xi32, #tpu.memory_space<vmem>>, vector<16xi32>,
      %mul3A_386 = arith.constant 16 : i32
      %mul3A_387 = arith.muli %scan3A_355, %mul3A_386 : i32
      %get3A_388 = arith.constant 32 : index
      %get3A_389 = tpu.vector_load %arg13[%get3A_388] {strides = array<i32>} : memref<400xi32, #tpu.memory_space<vmem>>, vector<16xi32>,
      %add3A_390 = vector.broadcast %mul3A_387 : i32 to vector<16xi32>
      %add3A_391 = arith.addi %add3A_390, %get3A_389 : vector<16xi32>
      %get3A_392 = arith.constant 32 : index
      %get3A_393 = tpu.vector_load %arg14[%get3A_392] {strides = array<i32>} : memref<400xi32, #tpu.memory_space<vmem>>, vector<16xi32>,
      %gather3A_394 = tpu.vector_load_idx %arg18[%add3A_391, %get3A_393] : memref<320x64xi32, #tpu.memory_space<vmem>>[vector<16xi32>, vector<16xi32>], vector<16xi32>,
      %mul3A_395 = arith.constant 400 : i32
      %mul3A_396 = arith.muli %scan3A_355, %mul3A_395 : i32
      %add3A_397 = arith.constant 32 : i32
      %add3A_398 = arith.addi %mul3A_396, %add3A_397 : i32
      %swap3A_399 = arith.index_cast %add3A_398 : i32 to index
      %swap3A_400 = tpu.vector_load %arg19[%swap3A_399] {strides = array<i32>} : memref<8000xi32, #tpu.memory_space<vmem>>, vector<16xi32>,
      tpu.vector_store %arg19[%swap3A_399], %gather3A_394 {strides = array<i32>} : memref<8000xi32, #tpu.memory_space<vmem>>, vector<16xi32>,
      %mul3A_401 = arith.constant 16 : i32
      %mul3A_402 = arith.muli %scan3A_355, %mul3A_401 : i32
      %get3A_403 = arith.constant 48 : index
      %get3A_404 = tpu.vector_load %arg13[%get3A_403] {strides = array<i32>} : memref<400xi32, #tpu.memory_space<vmem>>, vector<16xi32>,
      %add3A_405 = vector.broadcast %mul3A_402 : i32 to vector<16xi32>
      %add3A_406 = arith.addi %add3A_405, %get3A_404 : vector<16xi32>
      %get3A_407 = arith.constant 48 : index
      %get3A_408 = tpu.vector_load %arg14[%get3A_407] {strides = array<i32>} : memref<400xi32, #tpu.memory_space<vmem>>, vector<16xi32>,
      %gather3A_409 = tpu.vector_load_idx %arg18[%add3A_406, %get3A_408] : memref<320x64xi32, #tpu.memory_space<vmem>>[vector<16xi32>, vector<16xi32>], vector<16xi32>,
      %mul3A_410 = arith.constant 400 : i32
      %mul3A_411 = arith.muli %scan3A_355, %mul3A_410 : i32
      %add3A_412 = arith.constant 48 : i32
      %add3A_413 = arith.addi %mul3A_411, %add3A_412 : i32
      %swap3A_414 = arith.index_cast %add3A_413 : i32 to index
      %swap3A_415 = tpu.vector_load %arg19[%swap3A_414] {strides = array<i32>} : memref<8000xi32, #tpu.memory_space<vmem>>, vector<16xi32>,
      tpu.vector_store %arg19[%swap3A_414], %gather3A_409 {strides = array<i32>} : memref<8000xi32, #tpu.memory_space<vmem>>, vector<16xi32>,
      %mul3A_416 = arith.constant 16 : i32
      %mul3A_417 = arith.muli %scan3A_355, %mul3A_416 : i32
      %get3A_418 = arith.constant 64 : index
      %get3A_419 = tpu.vector_load %arg13[%get3A_418] {strides = array<i32>} : memref<400xi32, #tpu.memory_space<vmem>>, vector<16xi32>,
      %add3A_420 = vector.broadcast %mul3A_417 : i32 to vector<16xi32>
      %add3A_421 = arith.addi %add3A_420, %get3A_419 : vector<16xi32>
      %get3A_422 = arith.constant 64 : index
      %get3A_423 = tpu.vector_load %arg14[%get3A_422] {strides = array<i32>} : memref<400xi32, #tpu.memory_space<vmem>>, vector<16xi32>,
      %gather3A_424 = tpu.vector_load_idx %arg18[%add3A_421, %get3A_423] : memref<320x64xi32, #tpu.memory_space<vmem>>[vector<16xi32>, vector<16xi32>], vector<16xi32>,
      %mul3A_425 = arith.constant 400 : i32
      %mul3A_426 = arith.muli %scan3A_355, %mul3A_425 : i32
      %add3A_427 = arith.constant 64 : i32
      %add3A_428 = arith.addi %mul3A_426, %add3A_427 : i32
      %swap3A_429 = arith.index_cast %add3A_428 : i32 to index
      %swap3A_430 = tpu.vector_load %arg19[%swap3A_429] {strides = array<i32>} : memref<8000xi32, #tpu.memory_space<vmem>>, vector<16xi32>,
      tpu.vector_store %arg19[%swap3A_429], %gather3A_424 {strides = array<i32>} : memref<8000xi32, #tpu.memory_space<vmem>>, vector<16xi32>,
      %mul3A_431 = arith.constant 16 : i32
      %mul3A_432 = arith.muli %scan3A_355, %mul3A_431 : i32
      %get3A_433 = arith.constant 80 : index
      %get3A_434 = tpu.vector_load %arg13[%get3A_433] {strides = array<i32>} : memref<400xi32, #tpu.memory_space<vmem>>, vector<16xi32>,
      %add3A_435 = vector.broadcast %mul3A_432 : i32 to vector<16xi32>
      %add3A_436 = arith.addi %add3A_435, %get3A_434 : vector<16xi32>
      %get3A_437 = arith.constant 80 : index
      %get3A_438 = tpu.vector_load %arg14[%get3A_437] {strides = array<i32>} : memref<400xi32, #tpu.memory_space<vmem>>, vector<16xi32>,
      %gather3A_439 = tpu.vector_load_idx %arg18[%add3A_436, %get3A_438] : memref<320x64xi32, #tpu.memory_space<vmem>>[vector<16xi32>, vector<16xi32>], vector<16xi32>,
      %mul3A_440 = arith.constant 400 : i32
      %mul3A_441 = arith.muli %scan3A_355, %mul3A_440 : i32
      %add3A_442 = arith.constant 80 : i32
      %add3A_443 = arith.addi %mul3A_441, %add3A_442 : i32
      %swap3A_444 = arith.index_cast %add3A_443 : i32 to index
      %swap3A_445 = tpu.vector_load %arg19[%swap3A_444] {strides = array<i32>} : memref<8000xi32, #tpu.memory_space<vmem>>, vector<16xi32>,
      tpu.vector_store %arg19[%swap3A_444], %gather3A_439 {strides = array<i32>} : memref<8000xi32, #tpu.memory_space<vmem>>, vector<16xi32>,
      %mul3A_446 = arith.constant 16 : i32
      %mul3A_447 = arith.muli %scan3A_355, %mul3A_446 : i32
      %get3A_448 = arith.constant 96 : index
      %get3A_449 = tpu.vector_load %arg13[%get3A_448] {strides = array<i32>} : memref<400xi32, #tpu.memory_space<vmem>>, vector<16xi32>,
      %add3A_450 = vector.broadcast %mul3A_447 : i32 to vector<16xi32>
      %add3A_451 = arith.addi %add3A_450, %get3A_449 : vector<16xi32>
      %get3A_452 = arith.constant 96 : index
      %get3A_453 = tpu.vector_load %arg14[%get3A_452] {strides = array<i32>} : memref<400xi32, #tpu.memory_space<vmem>>, vector<16xi32>,
      %gather3A_454 = tpu.vector_load_idx %arg18[%add3A_451, %get3A_453] : memref<320x64xi32, #tpu.memory_space<vmem>>[vector<16xi32>, vector<16xi32>], vector<16xi32>,
      %mul3A_455 = arith.constant 400 : i32
      %mul3A_456 = arith.muli %scan3A_355, %mul3A_455 : i32
      %add3A_457 = arith.constant 96 : i32
      %add3A_458 = arith.addi %mul3A_456, %add3A_457 : i32
      %swap3A_459 = arith.index_cast %add3A_458 : i32 to index
      %swap3A_460 = tpu.vector_load %arg19[%swap3A_459] {strides = array<i32>} : memref<8000xi32, #tpu.memory_space<vmem>>, vector<16xi32>,
      tpu.vector_store %arg19[%swap3A_459], %gather3A_454 {strides = array<i32>} : memref<8000xi32, #tpu.memory_space<vmem>>, vector<16xi32>,
      %mul3A_461 = arith.constant 16 : i32
      %mul3A_462 = arith.muli %scan3A_355, %mul3A_461 : i32
      %get3A_463 = arith.constant 112 : index
      %get3A_464 = tpu.vector_load %arg13[%get3A_463] {strides = array<i32>} : memref<400xi32, #tpu.memory_space<vmem>>, vector<16xi32>,
      %add3A_465 = vector.broadcast %mul3A_462 : i32 to vector<16xi32>
      %add3A_466 = arith.addi %add3A_465, %get3A_464 : vector<16xi32>
      %get3A_467 = arith.constant 112 : index
      %get3A_468 = tpu.vector_load %arg14[%get3A_467] {strides = array<i32>} : memref<400xi32, #tpu.memory_space<vmem>>, vector<16xi32>,
      %gather3A_469 = tpu.vector_load_idx %arg18[%add3A_466, %get3A_468] : memref<320x64xi32, #tpu.memory_space<vmem>>[vector<16xi32>, vector<16xi32>], vector<16xi32>,
      %mul3A_470 = arith.constant 400 : i32
      %mul3A_471 = arith.muli %scan3A_355, %mul3A_470 : i32
      %add3A_472 = arith.constant 112 : i32
      %add3A_473 = arith.addi %mul3A_471, %add3A_472 : i32
      %swap3A_474 = arith.index_cast %add3A_473 : i32 to index
      %swap3A_475 = tpu.vector_load %arg19[%swap3A_474] {strides = array<i32>} : memref<8000xi32, #tpu.memory_space<vmem>>, vector<16xi32>,
      tpu.vector_store %arg19[%swap3A_474], %gather3A_469 {strides = array<i32>} : memref<8000xi32, #tpu.memory_space<vmem>>, vector<16xi32>,
      %mul3A_476 = arith.constant 16 : i32
      %mul3A_477 = arith.muli %scan3A_355, %mul3A_476 : i32
      %get3A_478 = arith.constant 128 : index
      %get3A_479 = tpu.vector_load %arg13[%get3A_478] {strides = array<i32>} : memref<400xi32, #tpu.memory_space<vmem>>, vector<16xi32>,
      %add3A_480 = vector.broadcast %mul3A_477 : i32 to vector<16xi32>
      %add3A_481 = arith.addi %add3A_480, %get3A_479 : vector<16xi32>
      %get3A_482 = arith.constant 128 : index
      %get3A_483 = tpu.vector_load %arg14[%get3A_482] {strides = array<i32>} : memref<400xi32, #tpu.memory_space<vmem>>, vector<16xi32>,
      %gather3A_484 = tpu.vector_load_idx %arg18[%add3A_481, %get3A_483] : memref<320x64xi32, #tpu.memory_space<vmem>>[vector<16xi32>, vector<16xi32>], vector<16xi32>,
      %mul3A_485 = arith.constant 400 : i32
      %mul3A_486 = arith.muli %scan3A_355, %mul3A_485 : i32
      %add3A_487 = arith.constant 128 : i32
      %add3A_488 = arith.addi %mul3A_486, %add3A_487 : i32
      %swap3A_489 = arith.index_cast %add3A_488 : i32 to index
      %swap3A_490 = tpu.vector_load %arg19[%swap3A_489] {strides = array<i32>} : memref<8000xi32, #tpu.memory_space<vmem>>, vector<16xi32>,
      tpu.vector_store %arg19[%swap3A_489], %gather3A_484 {strides = array<i32>} : memref<8000xi32, #tpu.memory_space<vmem>>, vector<16xi32>,
      %mul3A_491 = arith.constant 16 : i32
      %mul3A_492 = arith.muli %scan3A_355, %mul3A_491 : i32
      %get3A_493 = arith.constant 144 : index
      %get3A_494 = tpu.vector_load %arg13[%get3A_493] {strides = array<i32>} : memref<400xi32, #tpu.memory_space<vmem>>, vector<16xi32>,
      %add3A_495 = vector.broadcast %mul3A_492 : i32 to vector<16xi32>
      %add3A_496 = arith.addi %add3A_495, %get3A_494 : vector<16xi32>
      %get3A_497 = arith.constant 144 : index
      %get3A_498 = tpu.vector_load %arg14[%get3A_497] {strides = array<i32>} : memref<400xi32, #tpu.memory_space<vmem>>, vector<16xi32>,
      %gather3A_499 = tpu.vector_load_idx %arg18[%add3A_496, %get3A_498] : memref<320x64xi32, #tpu.memory_space<vmem>>[vector<16xi32>, vector<16xi32>], vector<16xi32>,
      %mul3A_500 = arith.constant 400 : i32
      %mul3A_501 = arith.muli %scan3A_355, %mul3A_500 : i32
      %add3A_502 = arith.constant 144 : i32
      %add3A_503 = arith.addi %mul3A_501, %add3A_502 : i32
      %swap3A_504 = arith.index_cast %add3A_503 : i32 to index
      %swap3A_505 = tpu.vector_load %arg19[%swap3A_504] {strides = array<i32>} : memref<8000xi32, #tpu.memory_space<vmem>>, vector<16xi32>,
      tpu.vector_store %arg19[%swap3A_504], %gather3A_499 {strides = array<i32>} : memref<8000xi32, #tpu.memory_space<vmem>>, vector<16xi32>,
      %mul3A_506 = arith.constant 16 : i32
      %mul3A_507 = arith.muli %scan3A_355, %mul3A_506 : i32
      %get3A_508 = arith.constant 160 : index
      %get3A_509 = tpu.vector_load %arg13[%get3A_508] {strides = array<i32>} : memref<400xi32, #tpu.memory_space<vmem>>, vector<16xi32>,
      %add3A_510 = vector.broadcast %mul3A_507 : i32 to vector<16xi32>
      %add3A_511 = arith.addi %add3A_510, %get3A_509 : vector<16xi32>
      %get3A_512 = arith.constant 160 : index
      %get3A_513 = tpu.vector_load %arg14[%get3A_512] {strides = array<i32>} : memref<400xi32, #tpu.memory_space<vmem>>, vector<16xi32>,
      %gather3A_514 = tpu.vector_load_idx %arg18[%add3A_511, %get3A_513] : memref<320x64xi32, #tpu.memory_space<vmem>>[vector<16xi32>, vector<16xi32>], vector<16xi32>,
      %mul3A_515 = arith.constant 400 : i32
      %mul3A_516 = arith.muli %scan3A_355, %mul3A_515 : i32
      %add3A_517 = arith.constant 160 : i32
      %add3A_518 = arith.addi %mul3A_516, %add3A_517 : i32
      %swap3A_519 = arith.index_cast %add3A_518 : i32 to index
      %swap3A_520 = tpu.vector_load %arg19[%swap3A_519] {strides = array<i32>} : memref<8000xi32, #tpu.memory_space<vmem>>, vector<16xi32>,
      tpu.vector_store %arg19[%swap3A_519], %gather3A_514 {strides = array<i32>} : memref<8000xi32, #tpu.memory_space<vmem>>, vector<16xi32>,
      %mul3A_521 = arith.constant 16 : i32
      %mul3A_522 = arith.muli %scan3A_355, %mul3A_521 : i32
      %get3A_523 = arith.constant 176 : index
      %get3A_524 = tpu.vector_load %arg13[%get3A_523] {strides = array<i32>} : memref<400xi32, #tpu.memory_space<vmem>>, vector<16xi32>,
      %add3A_525 = vector.broadcast %mul3A_522 : i32 to vector<16xi32>
      %add3A_526 = arith.addi %add3A_525, %get3A_524 : vector<16xi32>
      %get3A_527 = arith.constant 176 : index
      %get3A_528 = tpu.vector_load %arg14[%get3A_527] {strides = array<i32>} : memref<400xi32, #tpu.memory_space<vmem>>, vector<16xi32>,
      %gather3A_529 = tpu.vector_load_idx %arg18[%add3A_526, %get3A_528] : memref<320x64xi32, #tpu.memory_space<vmem>>[vector<16xi32>, vector<16xi32>], vector<16xi32>,
      %mul3A_530 = arith.constant 400 : i32
      %mul3A_531 = arith.muli %scan3A_355, %mul3A_530 : i32
      %add3A_532 = arith.constant 176 : i32
      %add3A_533 = arith.addi %mul3A_531, %add3A_532 : i32
      %swap3A_534 = arith.index_cast %add3A_533 : i32 to index
      %swap3A_535 = tpu.vector_load %arg19[%swap3A_534] {strides = array<i32>} : memref<8000xi32, #tpu.memory_space<vmem>>, vector<16xi32>,
      tpu.vector_store %arg19[%swap3A_534], %gather3A_529 {strides = array<i32>} : memref<8000xi32, #tpu.memory_space<vmem>>, vector<16xi32>,
      %mul3A_536 = arith.constant 16 : i32
      %mul3A_537 = arith.muli %scan3A_355, %mul3A_536 : i32
      %get3A_538 = arith.constant 192 : index
      %get3A_539 = tpu.vector_load %arg13[%get3A_538] {strides = array<i32>} : memref<400xi32, #tpu.memory_space<vmem>>, vector<16xi32>,
      %add3A_540 = vector.broadcast %mul3A_537 : i32 to vector<16xi32>
      %add3A_541 = arith.addi %add3A_540, %get3A_539 : vector<16xi32>
      %get3A_542 = arith.constant 192 : index
      %get3A_543 = tpu.vector_load %arg14[%get3A_542] {strides = array<i32>} : memref<400xi32, #tpu.memory_space<vmem>>, vector<16xi32>,
      %gather3A_544 = tpu.vector_load_idx %arg18[%add3A_541, %get3A_543] : memref<320x64xi32, #tpu.memory_space<vmem>>[vector<16xi32>, vector<16xi32>], vector<16xi32>,
      %mul3A_545 = arith.constant 400 : i32
      %mul3A_546 = arith.muli %scan3A_355, %mul3A_545 : i32
      %add3A_547 = arith.constant 192 : i32
      %add3A_548 = arith.addi %mul3A_546, %add3A_547 : i32
      %swap3A_549 = arith.index_cast %add3A_548 : i32 to index
      %swap3A_550 = tpu.vector_load %arg19[%swap3A_549] {strides = array<i32>} : memref<8000xi32, #tpu.memory_space<vmem>>, vector<16xi32>,
      tpu.vector_store %arg19[%swap3A_549], %gather3A_544 {strides = array<i32>} : memref<8000xi32, #tpu.memory_space<vmem>>, vector<16xi32>,
      %mul3A_551 = arith.constant 16 : i32
      %mul3A_552 = arith.muli %scan3A_355, %mul3A_551 : i32
      %get3A_553 = arith.constant 208 : index
      %get3A_554 = tpu.vector_load %arg13[%get3A_553] {strides = array<i32>} : memref<400xi32, #tpu.memory_space<vmem>>, vector<16xi32>,
      %add3A_555 = vector.broadcast %mul3A_552 : i32 to vector<16xi32>
      %add3A_556 = arith.addi %add3A_555, %get3A_554 : vector<16xi32>
      %get3A_557 = arith.constant 208 : index
      %get3A_558 = tpu.vector_load %arg14[%get3A_557] {strides = array<i32>} : memref<400xi32, #tpu.memory_space<vmem>>, vector<16xi32>,
      %gather3A_559 = tpu.vector_load_idx %arg18[%add3A_556, %get3A_558] : memref<320x64xi32, #tpu.memory_space<vmem>>[vector<16xi32>, vector<16xi32>], vector<16xi32>,
      %mul3A_560 = arith.constant 400 : i32
      %mul3A_561 = arith.muli %scan3A_355, %mul3A_560 : i32
      %add3A_562 = arith.constant 208 : i32
      %add3A_563 = arith.addi %mul3A_561, %add3A_562 : i32
      %swap3A_564 = arith.index_cast %add3A_563 : i32 to index
      %swap3A_565 = tpu.vector_load %arg19[%swap3A_564] {strides = array<i32>} : memref<8000xi32, #tpu.memory_space<vmem>>, vector<16xi32>,
      tpu.vector_store %arg19[%swap3A_564], %gather3A_559 {strides = array<i32>} : memref<8000xi32, #tpu.memory_space<vmem>>, vector<16xi32>,
      %mul3A_566 = arith.constant 16 : i32
      %mul3A_567 = arith.muli %scan3A_355, %mul3A_566 : i32
      %get3A_568 = arith.constant 224 : index
      %get3A_569 = tpu.vector_load %arg13[%get3A_568] {strides = array<i32>} : memref<400xi32, #tpu.memory_space<vmem>>, vector<16xi32>,
      %add3A_570 = vector.broadcast %mul3A_567 : i32 to vector<16xi32>
      %add3A_571 = arith.addi %add3A_570, %get3A_569 : vector<16xi32>
      %get3A_572 = arith.constant 224 : index
      %get3A_573 = tpu.vector_load %arg14[%get3A_572] {strides = array<i32>} : memref<400xi32, #tpu.memory_space<vmem>>, vector<16xi32>,
      %gather3A_574 = tpu.vector_load_idx %arg18[%add3A_571, %get3A_573] : memref<320x64xi32, #tpu.memory_space<vmem>>[vector<16xi32>, vector<16xi32>], vector<16xi32>,
      %mul3A_575 = arith.constant 400 : i32
      %mul3A_576 = arith.muli %scan3A_355, %mul3A_575 : i32
      %add3A_577 = arith.constant 224 : i32
      %add3A_578 = arith.addi %mul3A_576, %add3A_577 : i32
      %swap3A_579 = arith.index_cast %add3A_578 : i32 to index
      %swap3A_580 = tpu.vector_load %arg19[%swap3A_579] {strides = array<i32>} : memref<8000xi32, #tpu.memory_space<vmem>>, vector<16xi32>,
      tpu.vector_store %arg19[%swap3A_579], %gather3A_574 {strides = array<i32>} : memref<8000xi32, #tpu.memory_space<vmem>>, vector<16xi32>,
      %mul3A_581 = arith.constant 16 : i32
      %mul3A_582 = arith.muli %scan3A_355, %mul3A_581 : i32
      %get3A_583 = arith.constant 240 : index
      %get3A_584 = tpu.vector_load %arg13[%get3A_583] {strides = array<i32>} : memref<400xi32, #tpu.memory_space<vmem>>, vector<16xi32>,
      %add3A_585 = vector.broadcast %mul3A_582 : i32 to vector<16xi32>
      %add3A_586 = arith.addi %add3A_585, %get3A_584 : vector<16xi32>
      %get3A_587 = arith.constant 240 : index
      %get3A_588 = tpu.vector_load %arg14[%get3A_587] {strides = array<i32>} : memref<400xi32, #tpu.memory_space<vmem>>, vector<16xi32>,
      %gather3A_589 = tpu.vector_load_idx %arg18[%add3A_586, %get3A_588] : memref<320x64xi32, #tpu.memory_space<vmem>>[vector<16xi32>, vector<16xi32>], vector<16xi32>,
      %mul3A_590 = arith.constant 400 : i32
      %mul3A_591 = arith.muli %scan3A_355, %mul3A_590 : i32
      %add3A_592 = arith.constant 240 : i32
      %add3A_593 = arith.addi %mul3A_591, %add3A_592 : i32
      %swap3A_594 = arith.index_cast %add3A_593 : i32 to index
      %swap3A_595 = tpu.vector_load %arg19[%swap3A_594] {strides = array<i32>} : memref<8000xi32, #tpu.memory_space<vmem>>, vector<16xi32>,
      tpu.vector_store %arg19[%swap3A_594], %gather3A_589 {strides = array<i32>} : memref<8000xi32, #tpu.memory_space<vmem>>, vector<16xi32>,
      %mul3A_596 = arith.constant 16 : i32
      %mul3A_597 = arith.muli %scan3A_355, %mul3A_596 : i32
      %get3A_598 = arith.constant 256 : index
      %get3A_599 = tpu.vector_load %arg13[%get3A_598] {strides = array<i32>} : memref<400xi32, #tpu.memory_space<vmem>>, vector<16xi32>,
      %add3A_600 = vector.broadcast %mul3A_597 : i32 to vector<16xi32>
      %add3A_601 = arith.addi %add3A_600, %get3A_599 : vector<16xi32>
      %get3A_602 = arith.constant 256 : index
      %get3A_603 = tpu.vector_load %arg14[%get3A_602] {strides = array<i32>} : memref<400xi32, #tpu.memory_space<vmem>>, vector<16xi32>,
      %gather3A_604 = tpu.vector_load_idx %arg18[%add3A_601, %get3A_603] : memref<320x64xi32, #tpu.memory_space<vmem>>[vector<16xi32>, vector<16xi32>], vector<16xi32>,
      %mul3A_605 = arith.constant 400 : i32
      %mul3A_606 = arith.muli %scan3A_355, %mul3A_605 : i32
      %add3A_607 = arith.constant 256 : i32
      %add3A_608 = arith.addi %mul3A_606, %add3A_607 : i32
      %swap3A_609 = arith.index_cast %add3A_608 : i32 to index
      %swap3A_610 = tpu.vector_load %arg19[%swap3A_609] {strides = array<i32>} : memref<8000xi32, #tpu.memory_space<vmem>>, vector<16xi32>,
      tpu.vector_store %arg19[%swap3A_609], %gather3A_604 {strides = array<i32>} : memref<8000xi32, #tpu.memory_space<vmem>>, vector<16xi32>,
      %mul3A_611 = arith.constant 16 : i32
      %mul3A_612 = arith.muli %scan3A_355, %mul3A_611 : i32
      %get3A_613 = arith.constant 272 : index
      %get3A_614 = tpu.vector_load %arg13[%get3A_613] {strides = array<i32>} : memref<400xi32, #tpu.memory_space<vmem>>, vector<16xi32>,
      %add3A_615 = vector.broadcast %mul3A_612 : i32 to vector<16xi32>
      %add3A_616 = arith.addi %add3A_615, %get3A_614 : vector<16xi32>
      %get3A_617 = arith.constant 272 : index
      %get3A_618 = tpu.vector_load %arg14[%get3A_617] {strides = array<i32>} : memref<400xi32, #tpu.memory_space<vmem>>, vector<16xi32>,
      %gather3A_619 = tpu.vector_load_idx %arg18[%add3A_616, %get3A_618] : memref<320x64xi32, #tpu.memory_space<vmem>>[vector<16xi32>, vector<16xi32>], vector<16xi32>,
      %mul3A_620 = arith.constant 400 : i32
      %mul3A_621 = arith.muli %scan3A_355, %mul3A_620 : i32
      %add3A_622 = arith.constant 272 : i32
      %add3A_623 = arith.addi %mul3A_621, %add3A_622 : i32
      %swap3A_624 = arith.index_cast %add3A_623 : i32 to index
      %swap3A_625 = tpu.vector_load %arg19[%swap3A_624] {strides = array<i32>} : memref<8000xi32, #tpu.memory_space<vmem>>, vector<16xi32>,
      tpu.vector_store %arg19[%swap3A_624], %gather3A_619 {strides = array<i32>} : memref<8000xi32, #tpu.memory_space<vmem>>, vector<16xi32>,
      %mul3A_626 = arith.constant 16 : i32
      %mul3A_627 = arith.muli %scan3A_355, %mul3A_626 : i32
      %get3A_628 = arith.constant 288 : index
      %get3A_629 = tpu.vector_load %arg13[%get3A_628] {strides = array<i32>} : memref<400xi32, #tpu.memory_space<vmem>>, vector<16xi32>,
      %add3A_630 = vector.broadcast %mul3A_627 : i32 to vector<16xi32>
      %add3A_631 = arith.addi %add3A_630, %get3A_629 : vector<16xi32>
      %get3A_632 = arith.constant 288 : index
      %get3A_633 = tpu.vector_load %arg14[%get3A_632] {strides = array<i32>} : memref<400xi32, #tpu.memory_space<vmem>>, vector<16xi32>,
      %gather3A_634 = tpu.vector_load_idx %arg18[%add3A_631, %get3A_633] : memref<320x64xi32, #tpu.memory_space<vmem>>[vector<16xi32>, vector<16xi32>], vector<16xi32>,
      %mul3A_635 = arith.constant 400 : i32
      %mul3A_636 = arith.muli %scan3A_355, %mul3A_635 : i32
      %add3A_637 = arith.constant 288 : i32
      %add3A_638 = arith.addi %mul3A_636, %add3A_637 : i32
      %swap3A_639 = arith.index_cast %add3A_638 : i32 to index
      %swap3A_640 = tpu.vector_load %arg19[%swap3A_639] {strides = array<i32>} : memref<8000xi32, #tpu.memory_space<vmem>>, vector<16xi32>,
      tpu.vector_store %arg19[%swap3A_639], %gather3A_634 {strides = array<i32>} : memref<8000xi32, #tpu.memory_space<vmem>>, vector<16xi32>,
      %mul3A_641 = arith.constant 16 : i32
      %mul3A_642 = arith.muli %scan3A_355, %mul3A_641 : i32
      %get3A_643 = arith.constant 304 : index
      %get3A_644 = tpu.vector_load %arg13[%get3A_643] {strides = array<i32>} : memref<400xi32, #tpu.memory_space<vmem>>, vector<16xi32>,
      %add3A_645 = vector.broadcast %mul3A_642 : i32 to vector<16xi32>
      %add3A_646 = arith.addi %add3A_645, %get3A_644 : vector<16xi32>
      %get3A_647 = arith.constant 304 : index
      %get3A_648 = tpu.vector_load %arg14[%get3A_647] {strides = array<i32>} : memref<400xi32, #tpu.memory_space<vmem>>, vector<16xi32>,
      %gather3A_649 = tpu.vector_load_idx %arg18[%add3A_646, %get3A_648] : memref<320x64xi32, #tpu.memory_space<vmem>>[vector<16xi32>, vector<16xi32>], vector<16xi32>,
      %mul3A_650 = arith.constant 400 : i32
      %mul3A_651 = arith.muli %scan3A_355, %mul3A_650 : i32
      %add3A_652 = arith.constant 304 : i32
      %add3A_653 = arith.addi %mul3A_651, %add3A_652 : i32
      %swap3A_654 = arith.index_cast %add3A_653 : i32 to index
      %swap3A_655 = tpu.vector_load %arg19[%swap3A_654] {strides = array<i32>} : memref<8000xi32, #tpu.memory_space<vmem>>, vector<16xi32>,
      tpu.vector_store %arg19[%swap3A_654], %gather3A_649 {strides = array<i32>} : memref<8000xi32, #tpu.memory_space<vmem>>, vector<16xi32>,
      %mul3A_656 = arith.constant 16 : i32
      %mul3A_657 = arith.muli %scan3A_355, %mul3A_656 : i32
      %get3A_658 = arith.constant 320 : index
      %get3A_659 = tpu.vector_load %arg13[%get3A_658] {strides = array<i32>} : memref<400xi32, #tpu.memory_space<vmem>>, vector<16xi32>,
      %add3A_660 = vector.broadcast %mul3A_657 : i32 to vector<16xi32>
      %add3A_661 = arith.addi %add3A_660, %get3A_659 : vector<16xi32>
      %get3A_662 = arith.constant 320 : index
      %get3A_663 = tpu.vector_load %arg14[%get3A_662] {strides = array<i32>} : memref<400xi32, #tpu.memory_space<vmem>>, vector<16xi32>,
      %gather3A_664 = tpu.vector_load_idx %arg18[%add3A_661, %get3A_663] : memref<320x64xi32, #tpu.memory_space<vmem>>[vector<16xi32>, vector<16xi32>], vector<16xi32>,
      %mul3A_665 = arith.constant 400 : i32
      %mul3A_666 = arith.muli %scan3A_355, %mul3A_665 : i32
      %add3A_667 = arith.constant 320 : i32
      %add3A_668 = arith.addi %mul3A_666, %add3A_667 : i32
      %swap3A_669 = arith.index_cast %add3A_668 : i32 to index
      %swap3A_670 = tpu.vector_load %arg19[%swap3A_669] {strides = array<i32>} : memref<8000xi32, #tpu.memory_space<vmem>>, vector<16xi32>,
      tpu.vector_store %arg19[%swap3A_669], %gather3A_664 {strides = array<i32>} : memref<8000xi32, #tpu.memory_space<vmem>>, vector<16xi32>,
      %mul3A_671 = arith.constant 16 : i32
      %mul3A_672 = arith.muli %scan3A_355, %mul3A_671 : i32
      %get3A_673 = arith.constant 336 : index
      %get3A_674 = tpu.vector_load %arg13[%get3A_673] {strides = array<i32>} : memref<400xi32, #tpu.memory_space<vmem>>, vector<16xi32>,
      %add3A_675 = vector.broadcast %mul3A_672 : i32 to vector<16xi32>
      %add3A_676 = arith.addi %add3A_675, %get3A_674 : vector<16xi32>
      %get3A_677 = arith.constant 336 : index
      %get3A_678 = tpu.vector_load %arg14[%get3A_677] {strides = array<i32>} : memref<400xi32, #tpu.memory_space<vmem>>, vector<16xi32>,
      %gather3A_679 = tpu.vector_load_idx %arg18[%add3A_676, %get3A_678] : memref<320x64xi32, #tpu.memory_space<vmem>>[vector<16xi32>, vector<16xi32>], vector<16xi32>,
      %mul3A_680 = arith.constant 400 : i32
      %mul3A_681 = arith.muli %scan3A_355, %mul3A_680 : i32
      %add3A_682 = arith.constant 336 : i32
      %add3A_683 = arith.addi %mul3A_681, %add3A_682 : i32
      %swap3A_684 = arith.index_cast %add3A_683 : i32 to index
      %swap3A_685 = tpu.vector_load %arg19[%swap3A_684] {strides = array<i32>} : memref<8000xi32, #tpu.memory_space<vmem>>, vector<16xi32>,
      tpu.vector_store %arg19[%swap3A_684], %gather3A_679 {strides = array<i32>} : memref<8000xi32, #tpu.memory_space<vmem>>, vector<16xi32>,
      %mul3A_686 = arith.constant 16 : i32
      %mul3A_687 = arith.muli %scan3A_355, %mul3A_686 : i32
      %get3A_688 = arith.constant 352 : index
      %get3A_689 = tpu.vector_load %arg13[%get3A_688] {strides = array<i32>} : memref<400xi32, #tpu.memory_space<vmem>>, vector<16xi32>,
      %add3A_690 = vector.broadcast %mul3A_687 : i32 to vector<16xi32>
      %add3A_691 = arith.addi %add3A_690, %get3A_689 : vector<16xi32>
      %get3A_692 = arith.constant 352 : index
      %get3A_693 = tpu.vector_load %arg14[%get3A_692] {strides = array<i32>} : memref<400xi32, #tpu.memory_space<vmem>>, vector<16xi32>,
      %gather3A_694 = tpu.vector_load_idx %arg18[%add3A_691, %get3A_693] : memref<320x64xi32, #tpu.memory_space<vmem>>[vector<16xi32>, vector<16xi32>], vector<16xi32>,
      %mul3A_695 = arith.constant 400 : i32
      %mul3A_696 = arith.muli %scan3A_355, %mul3A_695 : i32
      %add3A_697 = arith.constant 352 : i32
      %add3A_698 = arith.addi %mul3A_696, %add3A_697 : i32
      %swap3A_699 = arith.index_cast %add3A_698 : i32 to index
      %swap3A_700 = tpu.vector_load %arg19[%swap3A_699] {strides = array<i32>} : memref<8000xi32, #tpu.memory_space<vmem>>, vector<16xi32>,
      tpu.vector_store %arg19[%swap3A_699], %gather3A_694 {strides = array<i32>} : memref<8000xi32, #tpu.memory_space<vmem>>, vector<16xi32>,
      %mul3A_701 = arith.constant 16 : i32
      %mul3A_702 = arith.muli %scan3A_355, %mul3A_701 : i32
      %get3A_703 = arith.constant 368 : index
      %get3A_704 = tpu.vector_load %arg13[%get3A_703] {strides = array<i32>} : memref<400xi32, #tpu.memory_space<vmem>>, vector<16xi32>,
      %add3A_705 = vector.broadcast %mul3A_702 : i32 to vector<16xi32>
      %add3A_706 = arith.addi %add3A_705, %get3A_704 : vector<16xi32>
      %get3A_707 = arith.constant 368 : index
      %get3A_708 = tpu.vector_load %arg14[%get3A_707] {strides = array<i32>} : memref<400xi32, #tpu.memory_space<vmem>>, vector<16xi32>,
      %gather3A_709 = tpu.vector_load_idx %arg18[%add3A_706, %get3A_708] : memref<320x64xi32, #tpu.memory_space<vmem>>[vector<16xi32>, vector<16xi32>], vector<16xi32>,
      %mul3A_710 = arith.constant 400 : i32
      %mul3A_711 = arith.muli %scan3A_355, %mul3A_710 : i32
      %add3A_712 = arith.constant 368 : i32
      %add3A_713 = arith.addi %mul3A_711, %add3A_712 : i32
      %swap3A_714 = arith.index_cast %add3A_713 : i32 to index
      %swap3A_715 = tpu.vector_load %arg19[%swap3A_714] {strides = array<i32>} : memref<8000xi32, #tpu.memory_space<vmem>>, vector<16xi32>,
      tpu.vector_store %arg19[%swap3A_714], %gather3A_709 {strides = array<i32>} : memref<8000xi32, #tpu.memory_space<vmem>>, vector<16xi32>,
      %mul3A_716 = arith.constant 16 : i32
      %mul3A_717 = arith.muli %scan3A_355, %mul3A_716 : i32
      %get3A_718 = arith.constant 384 : index
      %get3A_719 = tpu.vector_load %arg13[%get3A_718] {strides = array<i32>} : memref<400xi32, #tpu.memory_space<vmem>>, vector<16xi32>,
      %add3A_720 = vector.broadcast %mul3A_717 : i32 to vector<16xi32>
      %add3A_721 = arith.addi %add3A_720, %get3A_719 : vector<16xi32>
      %get3A_722 = arith.constant 384 : index
      %get3A_723 = tpu.vector_load %arg14[%get3A_722] {strides = array<i32>} : memref<400xi32, #tpu.memory_space<vmem>>, vector<16xi32>,
      %gather3A_724 = tpu.vector_load_idx %arg18[%add3A_721, %get3A_723] : memref<320x64xi32, #tpu.memory_space<vmem>>[vector<16xi32>, vector<16xi32>], vector<16xi32>,
      %mul3A_725 = arith.constant 400 : i32
      %mul3A_726 = arith.muli %scan3A_355, %mul3A_725 : i32
      %add3A_727 = arith.constant 384 : i32
      %add3A_728 = arith.addi %mul3A_726, %add3A_727 : i32
      %swap3A_729 = arith.index_cast %add3A_728 : i32 to index
      %swap3A_730 = tpu.vector_load %arg19[%swap3A_729] {strides = array<i32>} : memref<8000xi32, #tpu.memory_space<vmem>>, vector<16xi32>,
      tpu.vector_store %arg19[%swap3A_729], %gather3A_724 {strides = array<i32>} : memref<8000xi32, #tpu.memory_space<vmem>>, vector<16xi32>,
    }
    %scan3A_351 = arith.constant 20 : i32
    %mul3A_352 = arith.constant 8000 : i32
    %mul3A_353 = arith.muli %add3A, %mul3A_352 : i32
    %multiple_of3A_354 = tpu.assume_multiple %mul3A_353, 8000 : i32
    "tpu.region"() ({
      %run_scoped3A_355 = tpu.sem_alloc : memref<!tpu.dma_semaphore, #tpu.memory_space<semaphore_mem>>
      %dma_start3A_356 = tpu.memref_slice %arg10[%multiple_of3A_354] : memref<256000xi32, #tpu.memory_space<hbm>> -> memref<8000xi32, #tpu.memory_space<hbm>>
      %dma_start3A_357 = tpu.memref_slice %arg10[%multiple_of3A_354] : memref<256000xi32, #tpu.memory_space<hbm>> -> memref<8000xi32, #tpu.memory_space<hbm>>
      tpu.enqueue_dma source(%arg19 : memref<8000xi32, #tpu.memory_space<vmem>>) target(%dma_start3A_357 : memref<8000xi32, #tpu.memory_space<hbm>>) target_semaphore(%run_scoped3A_355 : memref<!tpu.dma_semaphore, #tpu.memory_space<semaphore_mem>>)
      %dma_wait3A_358 = tpu.memref_slice %arg10[%multiple_of3A_354] : memref<256000xi32, #tpu.memory_space<hbm>> -> memref<8000xi32, #tpu.memory_space<hbm>>
      %dma_wait3A_359 = tpu.memref_slice %arg10[%multiple_of3A_354] : memref<256000xi32, #tpu.memory_space<hbm>> -> memref<8000xi32, #tpu.memory_space<hbm>>
      tpu.wait_dma2 semaphore(%run_scoped3A_355 : memref<!tpu.dma_semaphore, #tpu.memory_space<semaphore_mem>>) src(%arg19 : memref<8000xi32, #tpu.memory_space<vmem>>) dst(%dma_wait3A_359 : memref<8000xi32, #tpu.memory_space<hbm>>)
      tpu.yield
    }) : () -> ()
    return
  }
}

</mosaic_0001>

<sc_bundles>
// kernel: kernel.3.cloned.1.call-start
scs
__scs_entry_jumppad:
0x0: {  	(pc) =	sbr.rel $0x88, $3  }
0x1: {  	(tag) =	ssettag $0x0;
	lr =	simm.s32 $0x1  }
0x2: {  	[smem:$0x3F9F] =	sst lr;
	_ =	strace $0xD0000000  }
0x3: {  	_ = 	snop  }
0x4: {  	_ = 	snop  }
0x5: {  	_ = 	snop  }
0x6: {  	_ = 	snop  }
0x7: {  	_ = 	snop  }
__scs_overlays_trampoline_lowered:
0x8: {  	[smem:$0x3FAE] =	sst s0  }
0x9: {  	[smem:$0x3FAF] =	sst s1  }
0xa: {  	[smem:$0x3FB0] =	sst s2  }
0xb: {  	[smem:$0x3FB1] =	sst s3  }
0xc: {  	[smem:$0x3FB2] =	sst s4  }
0xd: {  	[smem:$0x3FB3] =	sst s5  }
0xe: {  	[smem:$0x3FB4] =	sst s6  }
0xf: {  	[smem:$0x3FB5] =	sst s7  }
0x10: {  	[smem:$0x3FB6] =	sst s8  }
0x11: {  	[smem:$0x3FB7] =	sst s9;
	s0 =	simm.s32 @!p0 $0x0  }
0x12: {  	s1 =	sld [smem:$0x3F9D];
	s0 =	simm.s32 @p0 $0x1  }
0x13: {  	[smem:$0x3FB8] =	sst s0;
	s0 =	simm.s32 @!p1 $0x0  }
0x14: {  	s2 =	sld [smem:$0x3F9C];
	s0 =	simm.s32 @p1 $0x1  }
0x15: {  	[smem:$0x3FB9] =	sst s0;
	s0 =	simm.s32 @!p2 $0x0  }
0x16: {  	s3 =	sld [smem:$0x3FDB];
	s0 =	simm.s32 @p2 $0x1  }
0x17: {  	s4 =	simm.s32 $0x1BF5;
	[smem:$0x3FBB] =	sst s0  }
0x18: {  	s0 =	sld [smem:$0x3F9E];
	_ =	swait.ge [sflag:s4], $0x0  }
0x19: {  	s7 =	sld [smem:$0x3F9F]  }
0x1a: {  	s8 =	sadd.s32 $0xFFFFE003, lr  }
0x1b: {  	s9 =	sadd.s32 $0xFFFFFEF7, lr;
	s5 =	simm.s32 $0xFFFFFFFF;
	p2 =	slt.u32 s8, $0xFFFFF086  }
0x1c: {  	p1 =	slt.u32 s9, $0xF7A;
	s5 =	simm.s32 @!p2 $0x0  }
0x1d: {  	s5 =	simm.s32 @p1 $0x1;
	p0 =	seq.s32 s7, s2  }
0x1e: {  	s7 =	smul.u32 @!p0 $0xF7A, s2;
	p2 =	seq.s32 @!p0 s5, $0x0  }
0x1f: {  	s9 =	smul.u32 $0xF7A, s1;
	s8 =	simm.s32 @!p0 $0x1BF5;
	p2 =	por !p2, p0  }
0x20: {  	[sflag:s8] =	ssyncset.s32 @!p0 $0xFFFFF086;
	s6 =	sadd.s32 @!p0 s3, s7;
	s7 =	simm.s32 @!p0 $0x108  }
0x21: {  	s3 =	sadd.s32 s3, s9;
	s6 =	sadd.s32 @!p0 $0x88, s6;
	s7 =	simm.s32 @p2 $0x1082  }
0x22: {  	[simem:s7], [sflag:s8] =	dma.local @!p0 [hbm:s6], $0xF7A  }
0x23: {  	s9 =	sor.u32 $0xD0000000, s2;
	s6 =	simm.s32 $0x108;
	_ =	swait.ge @!p0 [sflag:s8], $0x0  }
0x24: {  	s3 =	sadd.s32 $0x88, s3;
	s6 =	simm.s32 @!p1 $0x1082;
	[sflag:s4] =	ssyncset.s32 $0xFFFFF086  }
0x25: {  	[simem:s6], [sflag:s4] =	dma.local [hbm:s3], $0xF7A  }
0x26: {  	[smem:$0x3F9F] =	sst s1;
	(tag) =	ssettag s2;
	_ =	strace s9  }
0x27: {  	s1 =	sld [smem:$0x3FAF]  }
0x28: {  	s2 =	sld [smem:$0x3FB0]  }
0x29: {  	s4 =	sld [smem:$0x3FB2]  }
0x2a: {  	p0 =	seq.s32 s5, $0x0;
	s5 =	sld [smem:$0x3FB3]  }
0x2b: {  	s6 =	sld [smem:$0x3FB4]  }
0x2c: {  	s7 =	sld [smem:$0x3FB5]  }
0x2d: {  	s3 =	simm.s32 $0x108;
	s8 =	sld [smem:$0x3FB6]  }
0x2e: {  	s3 =	simm.s32 @!p0 $0x1082;
	s9 =	sld [smem:$0x3FB7]  }
0x2f: {  	lr =	sadd.s32 s0, s3;
	s0 =	sld [smem:$0x3FAE]  }
0x30: {  	s3 =	sld [smem:$0x3FB1]  }
0x31: {  	[smem:$0x3FBA] =	sst s10  }
0x32: {  	s10 =	sld [smem:$0x3FB8];
	_ =	sdelay $0x3  }
0x33: {  	p0 =	seq.s32 s10, $0x1;
	s10 =	sld [smem:$0x3FBA];
	_ =	sdelay $0x3  }
0x34: {  	[smem:$0x3FBA] =	sst s10  }
0x35: {  	s10 =	sld [smem:$0x3FB9];
	_ =	sdelay $0x3  }
0x36: {  	p1 =	seq.s32 s10, $0x1;
	s10 =	sld [smem:$0x3FBA];
	_ =	sdelay $0x3  }
0x37: {  	[smem:$0x3FBA] =	sst s10  }
0x38: {  	s10 =	sld [smem:$0x3FBB]  }
0x39: {  	_ = 	snop;
	(pc) =	sbr.ind lr, $3  }
0x3a: {  	_ = 	snop  }
0x3b: {  	_ = 	snop  }
0x3c: {  	p2 =	seq.s32 s10, $0x1;
	s10 =	sld [smem:$0x3FBA]  }
0x3d: {  	_ =	shalt  }
0x3e: {  	_ =	shalt  }
0x3f: {  	_ =	shalt  }
0x40: {  	_ =	shalt  }
0x41: {  	_ =	shalt  }
0x42: {  	_ =	shalt  }
0x43: {  	_ =	shalt  }
0x44: {  	_ =	shalt  }
0x45: {  	_ =	shalt  }
0x46: {  	_ =	shalt  }
0x47: {  	_ =	shalt  }
0x48: {  	_ =	shalt  }
0x49: {  	_ =	shalt  }
0x4a: {  	_ =	shalt  }
0x4b: {  	_ =	shalt  }
0x4c: {  	_ =	shalt  }
0x4d: {  	_ =	shalt  }
0x4e: {  	_ =	shalt  }
0x4f: {  	_ =	shalt  }
0x50: {  	_ =	shalt  }
0x51: {  	_ =	shalt  }
0x52: {  	_ =	shalt  }
0x53: {  	_ =	shalt  }
0x54: {  	_ =	shalt  }
0x55: {  	_ =	shalt  }
0x56: {  	_ =	shalt  }
0x57: {  	_ =	shalt  }
0x58: {  	_ =	shalt  }
0x59: {  	_ =	shalt  }
0x5a: {  	_ =	shalt  }
0x5b: {  	_ =	shalt  }
0x5c: {  	_ =	shalt  }
0x5d: {  	_ =	shalt  }
0x5e: {  	_ =	shalt  }
0x5f: {  	_ =	shalt  }
0x60: {  	_ =	shalt  }
0x61: {  	_ =	shalt  }
0x62: {  	_ =	shalt  }
0x63: {  	_ =	shalt  }
0x64: {  	_ =	shalt  }
0x65: {  	_ =	shalt  }
0x66: {  	_ =	shalt  }
0x67: {  	_ =	shalt  }
0x68: {  	_ =	shalt  }
0x69: {  	_ =	shalt  }
0x6a: {  	_ =	shalt  }
0x6b: {  	_ =	shalt  }
0x6c: {  	_ =	shalt  }
0x6d: {  	_ =	shalt  }
0x6e: {  	_ =	shalt  }
0x6f: {  	_ =	shalt  }
0x70: {  	_ =	shalt  }
0x71: {  	_ =	shalt  }
0x72: {  	_ =	shalt  }
0x73: {  	_ =	shalt  }
0x74: {  	_ =	shalt  }
0x75: {  	_ =	shalt  }
0x76: {  	_ =	shalt  }
0x77: {  	_ =	shalt  }
0x78: {  	_ =	shalt  }
0x79: {  	_ =	shalt  }
0x7a: {  	_ =	shalt  }
0x7b: {  	_ =	shalt  }
0x7c: {  	_ =	shalt  }
0x7d: {  	_ =	shalt  }
0x7e: {  	_ =	shalt  }
0x7f: {  	_ =	shalt  }
0x80: {  	_ =	shalt  }
0x81: {  	_ =	shalt  }
0x82: {  	_ =	shalt  }
0x83: {  	_ =	shalt  }
0x84: {  	_ =	shalt  }
0x85: {  	_ =	shalt  }
0x86: {  	_ =	shalt  }
0x87: {  	_ =	shalt  }
.Lfunc_end0:
.L_simem_size_0:
called_computation_lowered:
.L_overlay_start_0:
0x88: {  	s2 =	sld [smem:$0x3FD9]  }
0x89: {  	s3 =	sld [smem:$0x3FFE];
	_ =	sdelay $0x1  }
0x8a: {  	s1 =	srdreg.scid  }
0x8b: {  	s0 =	sand.u32 $0x1, s1  }
0x8c: {  	s14 =	sshll.u32 s0, $0xA;
	s2 =	sadd.s32 s3, s2  }
0x8d: {  	s2 =	sadd.s32 s2, s14  }
0x8e: {  	[smem:$0x3FC6] =	sst s2  }
0x8f: {  	_ = 	snop  }
0x90: {  	s2 =	sld [smem:$0x3FD0];
	_ =	sdelay $0x2  }
0x91: {  	s4 =	simm.s32 $0xA;
	s5 =	simm.s32 $0x10;
	s15 =	sld [smem:$0x3FC9]  }
0x92: {  	[smem:s5], [sflag:s4] =	dma.local [hbm:s2], $0x1  }
0x93: {  	_ =	swait.eq [sflag:s4], $0x1  }
0x94: {  	s16 =	sld [smem:$0x10];
	[sflag:s4] =	ssyncset.done $0x0  }
0x95: {  	s17 =	sld [smem:$0x11];
	[sflag:s4] =	ssyncadd.s32 $0xFFFFFFFF  }
0x96: {  	s18 =	sld [smem:$0x12];
	(tm) =	ssettm $0x1  }
0x97: {  	s6 =	sld [smem:$0x3FFB];
	_ =	sdelay $0x3  }
0x98: {  	_ =	strace s6  }
0x99: {  	s6 =	sld [smem:$0x3FFC];
	_ =	sdelay $0x3  }
0x9a: {  	_ =	strace s6  }
0x9b: {  	s6 =	sld [smem:$0x3FFD];
	_ =	sdelay $0x3  }
0x9c: {  	_ =	strace s6  }
0x9d: {  	_ =	strace $0x8FFFFFFF  }
0x9e: {  	s19 =	sld [smem:$0x3FDB];
	_ =	sdelay $0x1  }
0x9f: {  	s7 =	simm.s32 $_scs_section_size  }
0xa0: {  	s8 =	simm.s32 $_size__tile_overlayer_lowered;
	s9 =	simm.s32 $_tile_overlayer_lowered  }
0xa1: {  	s22 =	simm.s32 $0x1BFF;
	s21 =	sshll.u32 s9, $0x1;
	s6 =	sadd.s32 s7, s19  }
0xa2: {  	s10 =	simm.s32 $0x0;
	s20 =	sshll.u32 s8, $0x1;
	s8 =	sadd.s32 s21, s6  }
0xa3: {  	[timem:s10], [sflag:s22] =	dma.local [hbm:s8], s20  }
0xa4: {  	_ =	swait.ge [sflag:s22], s20  }
0xa5: {  	s7 =	ssub.s32 $0x0, s20;
	[sflag:s22] =	ssyncset.done $0x0  }
0xa6: {  	[sflag:s22] =	ssyncadd.s32 s7;
	_ =	sdelay $0x1  }
0xa7: {  	s23 =	simm.s32 $0x1B8B  }
0xa8: {  	_ =	swait.ge [sflag:s23], $0x1  }
0xa9: {  	[sflag:s23] =	ssyncset.done $0x0  }
0xaa: {  	s25 =	simm.s32 $0x1B8E;
	s24 =	sld [smem:$0x3FFE];
	[sflag:s23] =	ssyncadd.s32 $0xFFFFFFFF  }
0xab: {  	s26 =	simm.s32 $execute0_lowered;
	[smem:$0x3FD2] =	sst s25  }
0xac: {  	s8 =	sshll.u32 s26, $0x1;
	_ =	strace $0x80000046;
	[dreg:$0x1] =	wrdreg $0xFFFFFFFF  }
0xad: {  	s28 =	simm.s32 $_size_execute0_lowered;
	s6 =	sadd.s32 s6, s8;
	[dreg:$0x0] =	wrdreg $0x0  }
0xae: {  	s8 =	sshll.u32 s28, $0x1;
	[dreg:$0x2] =	wrdreg s6  }
0xaf: {  	[dreg:$0x3] =	wrdreg s8  }
0xb0: {  	[dreg:$0x4] =	wrdreg $0xC0  }
0xb1: {  	_ =	task [dreg:s10], $0x5FFFF  }
0xb2: {  	[dreg:$0x1] =	wrdreg $0xFFFFFFFF  }
0xb3: {  	[dreg:$0x0] =	wrdreg $0x60  }
0xb4: {  	[dreg:$0x2] =	wrdreg s15  }
0xb5: {  	[dreg:$0x3] =	wrdreg s24  }
0xb6: {  	[dreg:$0x4] =	wrdreg s16  }
0xb7: {  	[dreg:$0x5] =	wrdreg s17  }
0xb8: {  	[dreg:$0x6] =	wrdreg s18  }
0xb9: {  	[dreg:$0x7] =	wrdreg $0x9  }
0xba: {  	_ =	task.clear_ibuf [dreg:s10], $0x8FFFF;
	_ =	strace $0x90000046  }
0xbb: {  	s29 =	simm.s32 $0x9;
	_ =	strace $0x80000048  }
0xbc: {  	_ =	swait.ge [sflag:s29], $0x1  }
0xbd: {  	[sflag:s29] =	ssyncadd.s32 $0xFFFFFFFF  }
0xbe: {  	_ =	strace $0x90000048  }
0xbf: {  	_ =	sfence  }
0xc0: {  	s30 =	sld [smem:$0x0];
	_ =	sdelay $0x2  }
0xc1: {  	s31 =	sshll.u32 s1, $0xD;
	s1 =	sshrl.u32 s1, $0x2  }
0xc2: {  	s3 =	sand.u32 $0x4000, s31;
	s1 =	sadd.s32 s1, s30  }
0xc3: {  	s0 =	sor.u32 s3, s0;
	s1 =	sshll.u32 s1, $0x11  }
0xc4: {  	s0 =	sor.u32 s1, s0  }
0xc5: {  	s0 =	sadd.s32 $0x8F2B, s0  }
0xc6: {  	[sflag:s0] =	ssyncadd.remote.s32 $0x1  }
0xc7: {  	_ =	sfence.sel $0xFFFF  }
0xc8: {  	[dreg:$0x0] =	wrdreg $0xFFFFFFFF;
	(pc) =	sbr.abs _section_cstart, $3  }
0xc9: {  	[dreg:$0x1] =	wrdreg $0xFFFFFFFF  }
0xca: {  	_ =	task.clear_ibuf [dreg:s10], $0x2FFFF;
	_ =	strace $0x9FFFFFFF  }
0xcb: {  	(tm) =	ssettm $0x7FFFFFFF  }
tec
execute0_lowered:
.L_overlay_start_1:
0x0: {  	(tag) =	ssettag $0x1  }
0x1: {  	s0 =	rddreg [dreg:$0x0]  }
0x2: {  	s1 =	rddreg [dreg:$0x1]  }
0x3: {  	s10 =	rddreg [dreg:$0x2]  }
0x4: {  	s9 =	rddreg [dreg:$0x3]  }
0x5: {  	s14 =	rddreg [dreg:$0x4];
	s2 =	simm.s32 $0x0  }
0x6: {  	s3 =	srdreg.scid;
	s4 =	stileid.u32;
	s16 =	simm.s32 $0x2  }
0x7: {  	s17 =	simm.s32 $0x50;
	s20 =	simm.s32 $0x3C0;
	s22 =	simm.s32 $0x3E0  }
0x8: {  	s23 =	simm.s32 $0x1;
	s24 =	simm.s32 $0xBE0;
	s28 =	simm.s32 $0xCD0  }
0x9: {  	s29 =	simm.s32 $0xD20;
	s30 =	simm.s32 $0x2120;
	s31 =	simm.s32 $0x3520  }
0xa: {  	s18 =	simm.s32 $0x0;
	[smem:$0x7FF] =	sst s2;
	s6 =	sand.u32 $0x1, s3  }
0xb: {  	s5 =	sshll.u32 s4, $0x1;
	s3 =	sadd.s32 $0x18D600, s1;
	s4 =	sadd.s32 $0x6E00, s1  }
0xc: {  	s7 =	sadd.s32 $0x6C00, s1;
	_ =	strace $0x80000047;
	s11 =	sor.u32 s6, s5  }
0xd: {  	s5 =	sadd.s32 $0x7A00, s1;
	s8 =	ssub.s32 $0x2, s6;
	s6 =	sadd.s32 $0x7000, s1  }
0xe: {  	s12 =	smul.u32 $0x140, s11;
	s25 =	sshrl.u32 s8, $0x1;
	s13 =	sshll.u32 s11, $0x2  }
0xf: {  	s26 =	smul.u32 $0x3E8, s11;
	s1 =	ssub.s32 s8, s25;
	s8 =	sadd.s32 s0, s13  }
0x10: {  	s10 =	sadd.s32 s10, s13;
	s25 =	simm.s32 $0xC30;
	s0 =	simm.s32 $0x4920  }
0x11: {  	s12 =	sshrl.u32 s12, $0x3;
	s14 =	sadd.s32 s14, s26;
	s15 =	smax.u32 s1, $0x1  }
0x12: {  	s26 =	simm.s32 $0xC80;
	s1 =	simm.s32 $0x5D20;
	s9 =	sadd.s32 s9, s12  }
0x13: {  	s11 =	sadd.s32 $0xA, s9;
	s12 =	sadd.s32 $0x14, s9;
	s13 =	sadd.s32 $0x1E, s9  }
.LBB2_1:
0x14: {  	[tilespmem:s2], [sflag:$0x2] =	stream.linear.gather [hbm4b:s4+s2], $0x50, $0x38;
	[tilespmem:$0x7C60] =	vst v63  }
0x15: {  	_ =	swait.ge [sflag:s16], $0x50  }
0x16: {  	[sflag:s16] =	ssyncset.done $0x0  }
0x17: {  	[sflag:s16] =	ssyncadd.s32 $0xFFFFFFB0  }
0x18: {  	[tilespmem:s17], [sflag:$0x2] =	stream.linear.gather [hbm4b:s5+s2], $0x50, $0x38;
	[tilespmem:$0x7C60] =	vst v63  }
0x19: {  	_ =	swait.ge [sflag:s16], $0x50  }
0x1a: {  	[sflag:s16] =	ssyncset.done $0x0  }
0x1b: {  	s19 =	simm.s32 $0xA0;
	[sflag:s16] =	ssyncadd.s32 $0xFFFFFFB0  }
0x1c: {  	[tilespmem:s19], [sflag:$0x2] =	stream.linear.gather [hbm4b:s6+s2], $0x190, $0x38;
	[tilespmem:$0x7C60] =	vst v63  }
0x1d: {  	_ =	swait.ge [sflag:s16], $0x190  }
0x1e: {  	[sflag:s16] =	ssyncset.done $0x0  }
0x1f: {  	s21 =	simm.s32 $0x230;
	[sflag:s16] =	ssyncadd.s32 $0xFFFFFE70  }
0x20: {  	[tilespmem:s21], [sflag:$0x2] =	stream.linear.gather [hbm4b:s7+s2], $0x190, $0x38;
	[tilespmem:$0x7C60] =	vst v63  }
0x21: {  	_ =	swait.ge [sflag:s16], $0x190  }
0x22: {  	[sflag:s16] =	ssyncset.done $0x0  }
0x23: {  	[sflag:s16] =	ssyncadd.s32 $0xFFFFFE70  }
0x24: {  	[tilespmem:s20], [sflag:$0x2] =	stream.linear.gather [hbm4b:s8+s2], $0x20, $0x38;
	[tilespmem:$0x7C60] =	vst v63  }
0x25: {  	_ =	swait.ge [sflag:s16], $0x20  }
0x26: {  	[sflag:s16] =	ssyncset.done $0x0  }
0x27: {  	s21 =	simm.s32 $0x20;
	[sflag:s16] =	ssyncadd.s32 $0xFFFFFFE0  }
0x28: {  	[tilespmem:s22], [sflag:$0x1] =	stream.indirect.gather [hbm4b:s3+s21], $0x40, s20, s21, $0xb8;
	[tilespmem:$0x7C60] =	vst v63  }
0x29: {  	_ = 	snop  }
0x2a: {  	[hbm4b:s10+s2] =	stream.linear.scatter [tilespmem:s20], [sflag:$0x2], $0x20, $0x38;
	[tilespmem:$0x7C60] =	vst v63  }
0x2b: {  	_ =	swait.ge [sflag:s16], $0x20  }
0x2c: {  	[sflag:s16] =	ssyncset.done $0x0  }
0x2d: {  	[sflag:s16] =	ssyncadd.s32 $0xFFFFFFE0  }
0x2e: {  	_ =	swait.ge [sflag:s23], $0x800  }
0x2f: {  	[sflag:s23] =	ssyncset.done $0x0  }
0x30: {  	[sflag:s23] =	ssyncadd.s32 $0xFFFFF800  }
0x31: {  	v0 =	vld [tilespmem:$0x0]  }
0x32: {  	v1 =	vld [tilespmem:$0x50];
	_ =	sdelay $0x4  }
0x33: {  	v36 =	vld [tilespmem:$0x10];
	v2 =	vand.u32 $0xFFFFFFF8, v1;
	v0 =	vshll.u32 v0, $0x6  }
0x34: {  	v37 =	vld [tilespmem:$0x60];
	v1 =	vand.u32 $0x7, v1;
	v0 =	vadd.s32 v0, v2  }
0x35: {  	v0 =	vor.u32 v1, v0;
	_ =	sdelay $0x2  }
0x36: {  	v4 =	vld [tilespmem:$0x20]  }
0x37: {  	v38 =	vld [tilespmem:$0x70];
	v3 =	vand.u32 $0xFFFFFFF8, v37;
	v1 =	vshll.u32 v36, $0x6  }
0x38: {  	v2 =	vand.u32 $0x7, v37;
	v1 =	vadd.s32 v1, v3;
	v0 =	vld.idx.msk [tilespmem:v0+s22+$0x0], $0xffff  }
0x39: {  	v1 =	vor.u32 v2, v1;
	_ =	sdelay $0x2  }
0x3a: {  	v41 =	vld [tilespmem:$0x30]  }
0x3b: {  	v42 =	vld [tilespmem:$0x80];
	v39 =	vand.u32 $0xFFFFFFF8, v38;
	v40 =	vshll.u32 v4, $0x6;
	[tilespmem:$0xBE0] =	vst v0  }
0x3c: {  	v3 =	vand.u32 $0x7, v38;
	v0 =	vadd.s32 v40, v39;
	v1 =	vld.idx.msk [tilespmem:v1+s22+$0x0], $0xffff  }
0x3d: {  	v0 =	vor.u32 v3, v0;
	_ =	sdelay $0x2  }
0x3e: {  	v44 =	vld [tilespmem:$0x40]  }
0x3f: {  	v45 =	vld [tilespmem:$0x90];
	v43 =	vand.u32 $0xFFFFFFF8, v42;
	v2 =	vshll.u32 v41, $0x6;
	[tilespmem:$0xBF0] =	vst v1  }
0x40: {  	v3 =	vand.u32 $0x7, v42;
	v1 =	vadd.s32 v2, v43;
	v0 =	vld.idx.msk [tilespmem:v0+s22+$0x0], $0xffff  }
0x41: {  	v1 =	vor.u32 v3, v1;
	_ =	sdelay $0x2  }
0x42: {  	v46 =	vld [tilespmem:$0x0]  }
0x43: {  	v5 =	vld [tilespmem:$0x50];
	v47 =	vand.u32 $0xFFFFFFF8, v45;
	v4 =	vshll.u32 v44, $0x6;
	[tilespmem:$0xC00] =	vst v0  }
0x44: {  	v2 =	vand.u32 $0x7, v45;
	v0 =	vadd.s32 v4, v47;
	v1 =	vld.idx.msk [tilespmem:v1+s22+$0x0], $0xffff  }
0x45: {  	v0 =	vor.u32 v2, v0;
	_ =	sdelay $0x2  }
0x46: {  	v49 =	vld [tilespmem:$0x10];
	v48 =	vand.u32 $0xFFFFFFF8, v5;
	v3 =	vshll.u32 v46, $0x6  }
0x47: {  	v51 =	vld [tilespmem:$0x60];
	v50 =	vand.u32 $0x7, v5;
	v2 =	vadd.s32 v48, v3;
	[tilespmem:$0xC10] =	vst v1  }
0x48: {  	v1 =	vor.u32 v50, v2;
	v0 =	vld.idx.msk [tilespmem:v0+s22+$0x0], $0xffff  }
0x49: {  	v1 =	vadd.s32 $0x200, v1;
	_ =	sdelay $0x2  }
0x4a: {  	v53 =	vld [tilespmem:$0x20];
	v52 =	vand.u32 $0xFFFFFFF8, v51;
	v4 =	vshll.u32 v49, $0x6  }
0x4b: {  	v55 =	vld [tilespmem:$0x70];
	v54 =	vand.u32 $0x7, v51;
	v2 =	vadd.s32 v52, v4;
	[tilespmem:$0xC20] =	vst v0  }
0x4c: {  	v0 =	vor.u32 v54, v2;
	v1 =	vld.idx.msk [tilespmem:v1+s22+$0x0], $0xffff  }
0x4d: {  	v0 =	vadd.s32 $0x200, v0;
	_ =	sdelay $0x2  }
0x4e: {  	v58 =	vld [tilespmem:$0x30];
	v56 =	vand.u32 $0xFFFFFFF8, v55;
	v57 =	vshll.u32 v53, $0x6  }
0x4f: {  	v60 =	vld [tilespmem:$0x80];
	v59 =	vand.u32 $0x7, v55;
	v2 =	vadd.s32 v56, v57;
	[tilespmem:$0xC30] =	vst v1  }
0x50: {  	v1 =	vor.u32 v59, v2;
	v0 =	vld.idx.msk [tilespmem:v0+s22+$0x0], $0xffff  }
0x51: {  	v1 =	vadd.s32 $0x200, v1;
	_ =	sdelay $0x2  }
0x52: {  	v63 =	vld [tilespmem:$0x40];
	v61 =	vand.u32 $0xFFFFFFF8, v60;
	v62 =	vshll.u32 v58, $0x6  }
0x53: {  	v9 =	vld [tilespmem:$0x90];
	v8 =	vand.u32 $0x7, v60;
	v2 =	vadd.s32 v61, v62;
	[tilespmem:$0xC40] =	vst v0  }
0x54: {  	v0 =	vor.u32 v8, v2;
	v1 =	vld.idx.msk [tilespmem:v1+s22+$0x0], $0xffff  }
0x55: {  	v0 =	vadd.s32 $0x200, v0;
	_ =	sdelay $0x2  }
0x56: {  	v12 =	vld [tilespmem:$0x0];
	v10 =	vand.u32 $0xFFFFFFF8, v9;
	v11 =	vshll.u32 v63, $0x6  }
0x57: {  	v14 =	vld [tilespmem:$0x50];
	v13 =	vand.u32 $0x7, v9;
	v2 =	vadd.s32 v10, v11;
	[tilespmem:$0xC50] =	vst v1  }
0x58: {  	v1 =	vor.u32 v13, v2;
	v0 =	vld.idx.msk [tilespmem:v0+s22+$0x0], $0xffff  }
0x59: {  	v1 =	vadd.s32 $0x200, v1;
	_ =	sdelay $0x2  }
0x5a: {  	v17 =	vld [tilespmem:$0x10];
	v15 =	vand.u32 $0xFFFFFFF8, v14;
	v16 =	vshll.u32 v12, $0x6  }
0x5b: {  	v19 =	vld [tilespmem:$0x60];
	v18 =	vand.u32 $0x7, v14;
	v2 =	vadd.s32 v15, v16;
	[tilespmem:$0xC60] =	vst v0  }
0x5c: {  	v0 =	vor.u32 v18, v2;
	v1 =	vld.idx.msk [tilespmem:v1+s22+$0x0], $0xffff  }
0x5d: {  	v0 =	vadd.s32 $0x400, v0;
	_ =	sdelay $0x2  }
0x5e: {  	v22 =	vld [tilespmem:$0x20];
	v20 =	vand.u32 $0xFFFFFFF8, v19;
	v21 =	vshll.u32 v17, $0x6  }
0x5f: {  	v24 =	vld [tilespmem:$0x70];
	v23 =	vand.u32 $0x7, v19;
	v2 =	vadd.s32 v20, v21;
	[tilespmem:$0xC70] =	vst v1  }
0x60: {  	v1 =	vor.u32 v23, v2;
	v0 =	vld.idx.msk [tilespmem:v0+s22+$0x0], $0xffff  }
0x61: {  	v1 =	vadd.s32 $0x400, v1;
	_ =	sdelay $0x2  }
0x62: {  	v27 =	vld [tilespmem:$0x30];
	v25 =	vand.u32 $0xFFFFFFF8, v24;
	v26 =	vshll.u32 v22, $0x6  }
0x63: {  	v29 =	vld [tilespmem:$0x80];
	v28 =	vand.u32 $0x7, v24;
	v2 =	vadd.s32 v25, v26;
	[tilespmem:$0xC80] =	vst v0  }
0x64: {  	v0 =	vor.u32 v28, v2;
	v1 =	vld.idx.msk [tilespmem:v1+s22+$0x0], $0xffff  }
0x65: {  	v0 =	vadd.s32 $0x400, v0;
	_ =	sdelay $0x2  }
0x66: {  	v32 =	vld [tilespmem:$0x40];
	v30 =	vand.u32 $0xFFFFFFF8, v29;
	v31 =	vshll.u32 v27, $0x6  }
0x67: {  	v34 =	vld [tilespmem:$0x90];
	v33 =	vand.u32 $0x7, v29;
	v2 =	vadd.s32 v30, v31;
	[tilespmem:$0xC90] =	vst v1  }
0x68: {  	v1 =	vor.u32 v33, v2;
	v0 =	vld.idx.msk [tilespmem:v0+s22+$0x0], $0xffff  }
0x69: {  	v1 =	vadd.s32 $0x400, v1;
	_ =	sdelay $0x2  }
0x6a: {  	v35 =	vand.u32 $0xFFFFFFF8, v34;
	v37 =	vld [tilespmem:$0x0];
	v36 =	vshll.u32 v32, $0x6  }
0x6b: {  	v38 =	vand.u32 $0x7, v34;
	v39 =	vld [tilespmem:$0x50];
	v2 =	vadd.s32 v35, v36;
	[tilespmem:$0xCA0] =	vst v0  }
0x6c: {  	v0 =	vor.u32 v38, v2;
	v1 =	vld.idx.msk [tilespmem:v1+s22+$0x0], $0xffff  }
0x6d: {  	v0 =	vadd.s32 $0x400, v0;
	_ =	sdelay $0x2  }
0x6e: {  	v44 =	vld [tilespmem:$0x60];
	v41 =	vshll.u32 v37, $0x6;
	v40 =	vand.u32 $0xFFFFFFF8, v39  }
0x6f: {  	v42 =	vld [tilespmem:$0x10];
	v43 =	vand.u32 $0x7, v39;
	v2 =	vadd.s32 v40, v41;
	[tilespmem:$0xCB0] =	vst v1  }
0x70: {  	v1 =	vor.u32 v43, v2;
	v0 =	vld.idx.msk [tilespmem:v0+s22+$0x0], $0xffff  }
0x71: {  	v1 =	vadd.s32 $0x600, v1;
	_ =	sdelay $0x2  }
0x72: {  	v45 =	vand.u32 $0xFFFFFFF8, v44;
	v46 =	vshll.u32 v42, $0x6;
	v47 =	vld [tilespmem:$0x20]  }
0x73: {  	v49 =	vld [tilespmem:$0x70];
	v48 =	vand.u32 $0x7, v44;
	v2 =	vadd.s32 v45, v46;
	[tilespmem:$0xCC0] =	vst v0  }
0x74: {  	v0 =	vor.u32 v48, v2;
	v1 =	vld.idx.msk [tilespmem:v1+s22+$0x0], $0xffff  }
0x75: {  	v0 =	vadd.s32 $0x600, v0;
	_ =	sdelay $0x2  }
0x76: {  	v51 =	vshll.u32 v47, $0x6;
	v50 =	vand.u32 $0xFFFFFFF8, v49;
	v52 =	vld [tilespmem:$0x30]  }
0x77: {  	v53 =	vand.u32 $0x7, v49;
	v54 =	vld [tilespmem:$0x80];
	v2 =	vadd.s32 v50, v51;
	[tilespmem:$0xCD0] =	vst v1  }
0x78: {  	v1 =	vor.u32 v53, v2;
	v0 =	vld.idx.msk [tilespmem:v0+s22+$0x0], $0xffff  }
0x79: {  	v1 =	vadd.s32 $0x600, v1;
	_ =	sdelay $0x2  }
0x7a: {  	v56 =	vshll.u32 v52, $0x6;
	v57 =	vld [tilespmem:$0x40];
	v55 =	vand.u32 $0xFFFFFFF8, v54  }
0x7b: {  	v58 =	vand.u32 $0x7, v54;
	v59 =	vld [tilespmem:$0x90];
	v2 =	vadd.s32 v55, v56;
	[tilespmem:$0xCE0] =	vst v0  }
0x7c: {  	v0 =	vor.u32 v58, v2;
	v1 =	vld.idx.msk [tilespmem:v1+s22+$0x0], $0xffff  }
0x7d: {  	v0 =	vadd.s32 $0x600, v0;
	_ =	sdelay $0x2  }
0x7e: {  	v61 =	vshll.u32 v57, $0x6;
	v60 =	vand.u32 $0xFFFFFFF8, v59  }
0x7f: {  	v63 =	vand.u32 $0x7, v59;
	v62 =	vadd.s32 v60, v61;
	[tilespmem:$0xCF0] =	vst v1  }
0x80: {  	v1 =	vor.u32 v63, v62;
	v0 =	vld.idx.msk [tilespmem:v0+s22+$0x0], $0xffff  }
0x81: {  	v1 =	vadd.s32 $0x600, v1;
	_ =	sdelay $0x3  }
0x82: {  	[tilespmem:$0xD00] =	vst v0  }
0x83: {  	v0 =	vld.idx.msk [tilespmem:v1+s22+$0x0], $0xffff;
	_ =	sdelay $0x4  }
0x84: {  	[tilespmem:$0xD10] =	vst v0  }
0x85: {  	[hbm4b:s9+s2] =	stream.linear.scatter [tilespmem:s24], [sflag:$0x2], $0x50, $0x38;
	[tilespmem:$0x7C60] =	vst v63  }
0x86: {  	_ =	swait.ge [sflag:s16], $0x50  }
0x87: {  	[sflag:s16] =	ssyncset.done $0x0  }
0x88: {  	[sflag:s16] =	ssyncadd.s32 $0xFFFFFFB0  }
0x89: {  	[hbm4b:s11+s2] =	stream.linear.scatter [tilespmem:s25], [sflag:$0x2], $0x50, $0x38;
	[tilespmem:$0x7C60] =	vst v63  }
0x8a: {  	_ =	swait.ge [sflag:s16], $0x50  }
0x8b: {  	[sflag:s16] =	ssyncset.done $0x0  }
0x8c: {  	[sflag:s16] =	ssyncadd.s32 $0xFFFFFFB0  }
0x8d: {  	[hbm4b:s12+s2] =	stream.linear.scatter [tilespmem:s26], [sflag:$0x2], $0x50, $0x38;
	[tilespmem:$0x7C60] =	vst v63  }
0x8e: {  	_ =	swait.ge [sflag:s16], $0x50  }
0x8f: {  	[sflag:s16] =	ssyncset.done $0x0  }
0x90: {  	[sflag:s16] =	ssyncadd.s32 $0xFFFFFFB0  }
0x91: {  	[hbm4b:s13+s2] =	stream.linear.scatter [tilespmem:s28], [sflag:$0x2], $0x50, $0x38;
	[tilespmem:$0x7C60] =	vst v63  }
0x92: {  	_ =	swait.ge [sflag:s16], $0x50  }
0x93: {  	[sflag:s16] =	ssyncset.done $0x0  }
0x94: {  	[sflag:s16] =	ssyncadd.s32 $0xFFFFFFB0  }
0x95: {  	[tilespmem:s29], [sflag:$0x1] =	stream.indirect.gather [hbm4b:s3+s17], $0x40, s24, s17, $0xb8;
	[tilespmem:$0x7C60] =	vst v63  }
0x96: {  	_ = 	snop  }
0x97: {  	[tilespmem:s30], [sflag:$0x1] =	stream.indirect.gather [hbm4b:s3+s17], $0x40, s25, s17, $0xb8;
	[tilespmem:$0x7C60] =	vst v63  }
0x98: {  	_ = 	snop  }
0x99: {  	[tilespmem:s31], [sflag:$0x1] =	stream.indirect.gather [hbm4b:s3+s17], $0x40, s26, s17, $0xb8;
	[tilespmem:$0x7C60] =	vst v63  }
0x9a: {  	_ = 	snop  }
0x9b: {  	[tilespmem:s0], [sflag:$0x1] =	stream.indirect.gather [hbm4b:s3+s17], $0x40, s28, s17, $0xb8;
	[tilespmem:$0x7C60] =	vst v63  }
0x9c: {  	_ =	swait.ge [sflag:s23], $0x1400  }
0x9d: {  	[sflag:s23] =	ssyncset.done $0x0  }
0x9e: {  	[sflag:s23] =	ssyncadd.s32 $0xFFFFEC00  }
0x9f: {  	_ =	swait.ge [sflag:s23], $0x1400  }
0xa0: {  	[sflag:s23] =	ssyncset.done $0x0  }
0xa1: {  	[sflag:s23] =	ssyncadd.s32 $0xFFFFEC00  }
0xa2: {  	_ =	swait.ge [sflag:s23], $0x1400  }
0xa3: {  	[sflag:s23] =	ssyncset.done $0x0  }
0xa4: {  	[sflag:s23] =	ssyncadd.s32 $0xFFFFEC00  }
0xa5: {  	_ =	swait.ge [sflag:s23], $0x1400  }
0xa6: {  	[sflag:s23] =	ssyncset.done $0x0  }
0xa7: {  	s19 =	simm.s32 $0x5DE0;
	s21 =	simm.s32 $0x0;
	[sflag:s23] =	ssyncadd.s32 $0xFFFFEC00  }
.LBB2_2:
0xa8: {  	v0 =	vld [tilespmem:$0xA0]  }
0xa9: {  	v1 =	vld [tilespmem:$0x230];
	_ =	sdelay $0x3  }
0xaa: {  	v0 =	vadd.s32 s21, v0  }
0xab: {  	v2 =	vand.u32 $0xFFFFFFF8, v1;
	v0 =	vshll.u32 v0, $0x6  }
0xac: {  	v1 =	vand.u32 $0x7, v1;
	v0 =	vadd.s32 v2, v0  }
0xad: {  	v0 =	vor.u32 v1, v0;
	_ =	sdelay $0x4  }
0xae: {  	v0 =	vld.idx.msk [tilespmem:v0+s29+$0x0], $0xffff;
	_ =	sdelay $0x4  }
0xaf: {  	[tilespmem:s19+$0xFFFFFF40] =	vst v0  }
0xb0: {  	v0 =	vld [tilespmem:$0xB0]  }
0xb1: {  	v16 =	vld [tilespmem:$0x240];
	_ =	sdelay $0x3  }
0xb2: {  	v0 =	vadd.s32 s21, v0  }
0xb3: {  	v17 =	vand.u32 $0xFFFFFFF8, v16;
	v0 =	vshll.u32 v0, $0x6  }
0xb4: {  	v1 =	vand.u32 $0x7, v16;
	v0 =	vadd.s32 v17, v0  }
0xb5: {  	v0 =	vor.u32 v1, v0;
	_ =	sdelay $0x4  }
0xb6: {  	v0 =	vld.idx.msk [tilespmem:v0+s29+$0x0], $0xffff;
	_ =	sdelay $0x4  }
0xb7: {  	[tilespmem:s19+$0xFFFFFF50] =	vst v0  }
0xb8: {  	v0 =	vld [tilespmem:$0xC0]  }
0xb9: {  	v18 =	vld [tilespmem:$0x250];
	_ =	sdelay $0x3  }
0xba: {  	v0 =	vadd.s32 s21, v0  }
0xbb: {  	v19 =	vand.u32 $0xFFFFFFF8, v18;
	v0 =	vshll.u32 v0, $0x6  }
0xbc: {  	v1 =	vand.u32 $0x7, v18;
	v0 =	vadd.s32 v19, v0  }
0xbd: {  	v0 =	vor.u32 v1, v0;
	_ =	sdelay $0x4  }
0xbe: {  	v0 =	vld.idx.msk [tilespmem:v0+s29+$0x0], $0xffff;
	_ =	sdelay $0x4  }
0xbf: {  	[tilespmem:s19+$0xFFFFFF60] =	vst v0  }
0xc0: {  	v0 =	vld [tilespmem:$0xD0]  }
0xc1: {  	v20 =	vld [tilespmem:$0x260];
	_ =	sdelay $0x3  }
0xc2: {  	v0 =	vadd.s32 s21, v0  }
0xc3: {  	v21 =	vand.u32 $0xFFFFFFF8, v20;
	v0 =	vshll.u32 v0, $0x6  }
0xc4: {  	v1 =	vand.u32 $0x7, v20;
	v0 =	vadd.s32 v21, v0  }
0xc5: {  	v0 =	vor.u32 v1, v0;
	_ =	sdelay $0x4  }
0xc6: {  	v0 =	vld.idx.msk [tilespmem:v0+s29+$0x0], $0xffff;
	_ =	sdelay $0x4  }
0xc7: {  	[tilespmem:s19+$0xFFFFFF70] =	vst v0  }
0xc8: {  	v0 =	vld [tilespmem:$0xE0]  }
0xc9: {  	v22 =	vld [tilespmem:$0x270];
	_ =	sdelay $0x3  }
0xca: {  	v0 =	vadd.s32 s21, v0  }
0xcb: {  	v23 =	vand.u32 $0xFFFFFFF8, v22;
	v0 =	vshll.u32 v0, $0x6  }
0xcc: {  	v1 =	vand.u32 $0x7, v22;
	v0 =	vadd.s32 v23, v0  }
0xcd: {  	v0 =	vor.u32 v1, v0;
	_ =	sdelay $0x4  }
0xce: {  	v0 =	vld.idx.msk [tilespmem:v0+s29+$0x0], $0xffff;
	_ =	sdelay $0x4  }
0xcf: {  	[tilespmem:s19+$0xFFFFFF80] =	vst v0  }
0xd0: {  	v0 =	vld [tilespmem:$0xF0]  }
0xd1: {  	v24 =	vld [tilespmem:$0x280];
	_ =	sdelay $0x3  }
0xd2: {  	v0 =	vadd.s32 s21, v0  }
0xd3: {  	v25 =	vand.u32 $0xFFFFFFF8, v24;
	v0 =	vshll.u32 v0, $0x6  }
0xd4: {  	v1 =	vand.u32 $0x7, v24;
	v0 =	vadd.s32 v25, v0  }
0xd5: {  	v0 =	vor.u32 v1, v0;
	_ =	sdelay $0x4  }
0xd6: {  	v0 =	vld.idx.msk [tilespmem:v0+s29+$0x0], $0xffff;
	_ =	sdelay $0x4  }
0xd7: {  	[tilespmem:s19+$0xFFFFFF90] =	vst v0  }
0xd8: {  	v0 =	vld [tilespmem:$0x100]  }
0xd9: {  	v26 =	vld [tilespmem:$0x290];
	_ =	sdelay $0x3  }
0xda: {  	v0 =	vadd.s32 s21, v0  }
0xdb: {  	v27 =	vand.u32 $0xFFFFFFF8, v26;
	v0 =	vshll.u32 v0, $0x6  }
0xdc: {  	v1 =	vand.u32 $0x7, v26;
	v0 =	vadd.s32 v27, v0  }
0xdd: {  	v0 =	vor.u32 v1, v0;
	_ =	sdelay $0x4  }
0xde: {  	v0 =	vld.idx.msk [tilespmem:v0+s29+$0x0], $0xffff;
	_ =	sdelay $0x4  }
0xdf: {  	[tilespmem:s19+$0xFFFFFFA0] =	vst v0  }
0xe0: {  	v0 =	vld [tilespmem:$0x110]  }
0xe1: {  	v28 =	vld [tilespmem:$0x2A0];
	_ =	sdelay $0x3  }
0xe2: {  	v0 =	vadd.s32 s21, v0  }
0xe3: {  	v29 =	vand.u32 $0xFFFFFFF8, v28;
	v0 =	vshll.u32 v0, $0x6  }
0xe4: {  	v1 =	vand.u32 $0x7, v28;
	v0 =	vadd.s32 v29, v0  }
0xe5: {  	v0 =	vor.u32 v1, v0;
	_ =	sdelay $0x4  }
0xe6: {  	v0 =	vld.idx.msk [tilespmem:v0+s29+$0x0], $0xffff;
	_ =	sdelay $0x4  }
0xe7: {  	[tilespmem:s19+$0xFFFFFFB0] =	vst v0  }
0xe8: {  	v0 =	vld [tilespmem:$0x120]  }
0xe9: {  	v30 =	vld [tilespmem:$0x2B0];
	_ =	sdelay $0x3  }
0xea: {  	v0 =	vadd.s32 s21, v0  }
0xeb: {  	v31 =	vand.u32 $0xFFFFFFF8, v30;
	v0 =	vshll.u32 v0, $0x6  }
0xec: {  	v1 =	vand.u32 $0x7, v30;
	v0 =	vadd.s32 v31, v0  }
0xed: {  	v0 =	vor.u32 v1, v0;
	_ =	sdelay $0x4  }
0xee: {  	v0 =	vld.idx.msk [tilespmem:v0+s29+$0x0], $0xffff;
	_ =	sdelay $0x4  }
0xef: {  	[tilespmem:s19+$0xFFFFFFC0] =	vst v0  }
0xf0: {  	v0 =	vld [tilespmem:$0x130]  }
0xf1: {  	v32 =	vld [tilespmem:$0x2C0];
	_ =	sdelay $0x3  }
0xf2: {  	v0 =	vadd.s32 s21, v0  }
0xf3: {  	v33 =	vand.u32 $0xFFFFFFF8, v32;
	v0 =	vshll.u32 v0, $0x6  }
0xf4: {  	v1 =	vand.u32 $0x7, v32;
	v0 =	vadd.s32 v33, v0  }
0xf5: {  	v0 =	vor.u32 v1, v0;
	_ =	sdelay $0x4  }
0xf6: {  	v0 =	vld.idx.msk [tilespmem:v0+s29+$0x0], $0xffff;
	_ =	sdelay $0x4  }
0xf7: {  	[tilespmem:s19+$0xFFFFFFD0] =	vst v0  }
0xf8: {  	v0 =	vld [tilespmem:$0x140]  }
0xf9: {  	v34 =	vld [tilespmem:$0x2D0];
	_ =	sdelay $0x3  }
0xfa: {  	v0 =	vadd.s32 s21, v0  }
0xfb: {  	v35 =	vand.u32 $0xFFFFFFF8, v34;
	v0 =	vshll.u32 v0, $0x6  }
0xfc: {  	v1 =	vand.u32 $0x7, v34;
	v0 =	vadd.s32 v35, v0  }
0xfd: {  	v0 =	vor.u32 v1, v0;
	_ =	sdelay $0x4  }
0xfe: {  	v0 =	vld.idx.msk [tilespmem:v0+s29+$0x0], $0xffff;
	_ =	sdelay $0x4  }
0xff: {  	[tilespmem:s19+$0xFFFFFFE0] =	vst v0  }
0x100: {  	v0 =	vld [tilespmem:$0x150]  }
0x101: {  	v36 =	vld [tilespmem:$0x2E0];
	_ =	sdelay $0x3  }
0x102: {  	v0 =	vadd.s32 s21, v0  }
0x103: {  	v37 =	vand.u32 $0xFFFFFFF8, v36;
	v0 =	vshll.u32 v0, $0x6  }
0x104: {  	v1 =	vand.u32 $0x7, v36;
	v0 =	vadd.s32 v37, v0  }
0x105: {  	v0 =	vor.u32 v1, v0;
	_ =	sdelay $0x4  }
0x106: {  	v0 =	vld.idx.msk [tilespmem:v0+s29+$0x0], $0xffff;
	_ =	sdelay $0x4  }
0x107: {  	[tilespmem:s19+$0xFFFFFFF0] =	vst v0  }
0x108: {  	v0 =	vld [tilespmem:$0x160]  }
0x109: {  	v38 =	vld [tilespmem:$0x2F0];
	_ =	sdelay $0x3  }
0x10a: {  	v0 =	vadd.s32 s21, v0  }
0x10b: {  	v39 =	vand.u32 $0xFFFFFFF8, v38;
	v0 =	vshll.u32 v0, $0x6  }
0x10c: {  	v1 =	vand.u32 $0x7, v38;
	v0 =	vadd.s32 v39, v0  }
0x10d: {  	v0 =	vor.u32 v1, v0;
	_ =	sdelay $0x4  }
0x10e: {  	v0 =	vld.idx.msk [tilespmem:v0+s29+$0x0], $0xffff;
	_ =	sdelay $0x4  }
0x10f: {  	[tilespmem:s19+$0x0] =	vst v0  }
0x110: {  	v0 =	vld [tilespmem:$0x170]  }
0x111: {  	v40 =	vld [tilespmem:$0x300];
	_ =	sdelay $0x3  }
0x112: {  	v0 =	vadd.s32 s21, v0  }
0x113: {  	v41 =	vand.u32 $0xFFFFFFF8, v40;
	v0 =	vshll.u32 v0, $0x6  }
0x114: {  	v1 =	vand.u32 $0x7, v40;
	v0 =	vadd.s32 v41, v0  }
0x115: {  	v0 =	vor.u32 v1, v0;
	_ =	sdelay $0x4  }
0x116: {  	v0 =	vld.idx.msk [tilespmem:v0+s29+$0x0], $0xffff;
	_ =	sdelay $0x4  }
0x117: {  	[tilespmem:s19+$0x10] =	vst v0  }
0x118: {  	v0 =	vld [tilespmem:$0x180]  }
0x119: {  	v42 =	vld [tilespmem:$0x310];
	_ =	sdelay $0x3  }
0x11a: {  	v0 =	vadd.s32 s21, v0  }
0x11b: {  	v43 =	vand.u32 $0xFFFFFFF8, v42;
	v0 =	vshll.u32 v0, $0x6  }
0x11c: {  	v1 =	vand.u32 $0x7, v42;
	v0 =	vadd.s32 v43, v0  }
0x11d: {  	v0 =	vor.u32 v1, v0;
	_ =	sdelay $0x4  }
0x11e: {  	v0 =	vld.idx.msk [tilespmem:v0+s29+$0x0], $0xffff;
	_ =	sdelay $0x4  }
0x11f: {  	[tilespmem:s19+$0x20] =	vst v0  }
0x120: {  	v0 =	vld [tilespmem:$0x190]  }
0x121: {  	v44 =	vld [tilespmem:$0x320];
	_ =	sdelay $0x3  }
0x122: {  	v0 =	vadd.s32 s21, v0  }
0x123: {  	v45 =	vand.u32 $0xFFFFFFF8, v44;
	v0 =	vshll.u32 v0, $0x6  }
0x124: {  	v1 =	vand.u32 $0x7, v44;
	v0 =	vadd.s32 v45, v0  }
0x125: {  	v0 =	vor.u32 v1, v0;
	_ =	sdelay $0x4  }
0x126: {  	v0 =	vld.idx.msk [tilespmem:v0+s29+$0x0], $0xffff;
	_ =	sdelay $0x4  }
0x127: {  	[tilespmem:s19+$0x30] =	vst v0  }
0x128: {  	v0 =	vld [tilespmem:$0x1A0]  }
0x129: {  	v46 =	vld [tilespmem:$0x330];
	_ =	sdelay $0x3  }
0x12a: {  	v0 =	vadd.s32 s21, v0  }
0x12b: {  	v47 =	vand.u32 $0xFFFFFFF8, v46;
	v0 =	vshll.u32 v0, $0x6  }
0x12c: {  	v1 =	vand.u32 $0x7, v46;
	v0 =	vadd.s32 v47, v0  }
0x12d: {  	v0 =	vor.u32 v1, v0;
	_ =	sdelay $0x4  }
0x12e: {  	v0 =	vld.idx.msk [tilespmem:v0+s29+$0x0], $0xffff;
	_ =	sdelay $0x4  }
0x12f: {  	[tilespmem:s19+$0x40] =	vst v0  }
0x130: {  	v0 =	vld [tilespmem:$0x1B0]  }
0x131: {  	v48 =	vld [tilespmem:$0x340];
	_ =	sdelay $0x3  }
0x132: {  	v0 =	vadd.s32 s21, v0  }
0x133: {  	v49 =	vand.u32 $0xFFFFFFF8, v48;
	v0 =	vshll.u32 v0, $0x6  }
0x134: {  	v1 =	vand.u32 $0x7, v48;
	v0 =	vadd.s32 v49, v0  }
0x135: {  	v0 =	vor.u32 v1, v0;
	_ =	sdelay $0x4  }
0x136: {  	v0 =	vld.idx.msk [tilespmem:v0+s29+$0x0], $0xffff;
	_ =	sdelay $0x4  }
0x137: {  	[tilespmem:s19+$0x50] =	vst v0  }
0x138: {  	v0 =	vld [tilespmem:$0x1C0]  }
0x139: {  	v50 =	vld [tilespmem:$0x350];
	_ =	sdelay $0x3  }
0x13a: {  	v0 =	vadd.s32 s21, v0  }
0x13b: {  	v51 =	vand.u32 $0xFFFFFFF8, v50;
	v0 =	vshll.u32 v0, $0x6  }
0x13c: {  	v1 =	vand.u32 $0x7, v50;
	v0 =	vadd.s32 v51, v0  }
0x13d: {  	v0 =	vor.u32 v1, v0;
	_ =	sdelay $0x4  }
0x13e: {  	v0 =	vld.idx.msk [tilespmem:v0+s29+$0x0], $0xffff;
	_ =	sdelay $0x4  }
0x13f: {  	[tilespmem:s19+$0x60] =	vst v0  }
0x140: {  	v0 =	vld [tilespmem:$0x1D0]  }
0x141: {  	v52 =	vld [tilespmem:$0x360];
	_ =	sdelay $0x3  }
0x142: {  	v0 =	vadd.s32 s21, v0  }
0x143: {  	v53 =	vand.u32 $0xFFFFFFF8, v52;
	v0 =	vshll.u32 v0, $0x6  }
0x144: {  	v1 =	vand.u32 $0x7, v52;
	v0 =	vadd.s32 v53, v0  }
0x145: {  	v0 =	vor.u32 v1, v0;
	_ =	sdelay $0x4  }
0x146: {  	v0 =	vld.idx.msk [tilespmem:v0+s29+$0x0], $0xffff;
	_ =	sdelay $0x4  }
0x147: {  	[tilespmem:s19+$0x70] =	vst v0  }
0x148: {  	v0 =	vld [tilespmem:$0x1E0]  }
0x149: {  	v54 =	vld [tilespmem:$0x370];
	_ =	sdelay $0x3  }
0x14a: {  	v0 =	vadd.s32 s21, v0  }
0x14b: {  	v55 =	vand.u32 $0xFFFFFFF8, v54;
	v0 =	vshll.u32 v0, $0x6  }
0x14c: {  	v1 =	vand.u32 $0x7, v54;
	v0 =	vadd.s32 v55, v0  }
0x14d: {  	v0 =	vor.u32 v1, v0;
	_ =	sdelay $0x4  }
0x14e: {  	v0 =	vld.idx.msk [tilespmem:v0+s29+$0x0], $0xffff;
	_ =	sdelay $0x4  }
0x14f: {  	[tilespmem:s19+$0x80] =	vst v0  }
0x150: {  	v0 =	vld [tilespmem:$0x1F0]  }
0x151: {  	v56 =	vld [tilespmem:$0x380];
	_ =	sdelay $0x3  }
0x152: {  	v0 =	vadd.s32 s21, v0  }
0x153: {  	v57 =	vand.u32 $0xFFFFFFF8, v56;
	v0 =	vshll.u32 v0, $0x6  }
0x154: {  	v1 =	vand.u32 $0x7, v56;
	v0 =	vadd.s32 v57, v0  }
0x155: {  	v0 =	vor.u32 v1, v0;
	_ =	sdelay $0x4  }
0x156: {  	v0 =	vld.idx.msk [tilespmem:v0+s29+$0x0], $0xffff;
	_ =	sdelay $0x4  }
0x157: {  	[tilespmem:s19+$0x90] =	vst v0  }
0x158: {  	v0 =	vld [tilespmem:$0x200]  }
0x159: {  	v58 =	vld [tilespmem:$0x390];
	_ =	sdelay $0x3  }
0x15a: {  	v0 =	vadd.s32 s21, v0  }
0x15b: {  	v59 =	vand.u32 $0xFFFFFFF8, v58;
	v0 =	vshll.u32 v0, $0x6  }
0x15c: {  	v1 =	vand.u32 $0x7, v58;
	v0 =	vadd.s32 v59, v0  }
0x15d: {  	v0 =	vor.u32 v1, v0;
	_ =	sdelay $0x4  }
0x15e: {  	v0 =	vld.idx.msk [tilespmem:v0+s29+$0x0], $0xffff;
	_ =	sdelay $0x4  }
0x15f: {  	[tilespmem:s19+$0xA0] =	vst v0  }
0x160: {  	v0 =	vld [tilespmem:$0x210]  }
0x161: {  	v60 =	vld [tilespmem:$0x3A0];
	_ =	sdelay $0x3  }
0x162: {  	v0 =	vadd.s32 s21, v0  }
0x163: {  	v61 =	vand.u32 $0xFFFFFFF8, v60;
	v0 =	vshll.u32 v0, $0x6  }
0x164: {  	v1 =	vand.u32 $0x7, v60;
	v0 =	vadd.s32 v61, v0  }
0x165: {  	v0 =	vor.u32 v1, v0;
	_ =	sdelay $0x4  }
0x166: {  	v0 =	vld.idx.msk [tilespmem:v0+s29+$0x0], $0xffff;
	_ =	sdelay $0x4  }
0x167: {  	[tilespmem:s19+$0xB0] =	vst v0  }
0x168: {  	v0 =	vld [tilespmem:$0x220]  }
0x169: {  	v62 =	vld [tilespmem:$0x3B0];
	_ =	sdelay $0x3  }
0x16a: {  	v0 =	vadd.s32 s21, v0  }
0x16b: {  	v63 =	vand.u32 $0xFFFFFFF8, v62;
	v0 =	vshll.u32 v0, $0x6  }
0x16c: {  	v1 =	vand.u32 $0x7, v62;
	v0 =	vadd.s32 v63, v0  }
0x16d: {  	v0 =	vor.u32 v1, v0;
	_ =	sdelay $0x4  }
0x16e: {  	p0 =	sne.s32 s21, $0x130;
	v0 =	vld.idx.msk [tilespmem:v0+s29+$0x0], $0xffff  }
.Ltmp0:
0x16f: {  	_ = 	snop;
	(pc) =	sbr.rel @p0 .LBB2_2-.Ltmp0, $2  }
0x170: {  	_ =	sdelay $0x2  }
0x171: {  	s21 =	sadd.s32 $0x10, s21;
	[tilespmem:s19+$0xC0] =	vst v0;
	s19 =	sadd.s32 $0x190, s19  }
0x172: {  	s18 =	sadd.s32 $0x1, s18  }
0x173: {  	p0 =	sne.s32 s18, s15  }
.Ltmp1:
0x174: {  	_ = 	snop;
	(pc) =	sbr.rel @p0 .LBB2_1-.Ltmp1, $4  }
0x175: {  	[hbm4b:s14+s2] =	stream.linear.scatter [tilespmem:s1], [sflag:$0x2], $0x1F40, $0x38;
	[tilespmem:$0x7C60] =	vst v63  }
0x176: {  	_ =	swait.ge [sflag:s16], $0x1F40  }
0x177: {  	[sflag:s16] =	ssyncset.done $0x0  }
0x178: {  	[sflag:s16] =	ssyncadd.s32 $0xFFFFE0C0  }
0x179: {  	_ =	sfence.sel $0x180000  }
0x17a: {  	[bflag:$0x0] =	sbarrier.arrive $0xFFFF  }
0x17b: {  	_ =	strace $0x90000047  }
0x17c: {  	s0 =	stileid.u32;
	[bflag:$0x2] =	sbarrier.arrive $0xFFFF  }
0x17d: {  	p0 =	sne.s32 s0, $0x0;
	s0 =	rddreg [dreg:$0x5]  }
0x17e: {  	s0 =	sadd.s32 @!p0 $0x100000, s0  }
0x17f: {  	[sflag:s0] =	ssyncadd.tile.s32 @!p0 $0x1;
	_ =	shalt  }
.Lfunc_end2:
_tile_overlayer_lowered:
.L_overlay_start_2:
0x180: {  	(tag) =	ssettag $0x2  }
0x181: {  	s0 =	rddreg [dreg:$0x0];
	s2 =	stileid.u32  }
0x182: {  	s1 =	rddreg [dreg:$0x1];
	p0 =	sne.s32 s2, $0x0  }
0x183: {  	s3 =	rddreg [dreg:$0x2];
	[bflag:$0x3] =	sbarrier.arrive $0xFFFF;
	s2 =	simm.s32 @!p0 $0x1C02  }
0x184: {  	[timem:s3], [sflag:s2] =	dma.local @!p0 [hbm:s0], s1  }
0x185: {  	s0 =	simm.s32 @!p0 $0x2  }
0x186: {  	_ =	swait.ge @!p0 [sflag:s0], s1  }
0x187: {  	s1 =	ssub.s32 @!p0 $0x0, s1;
	[sflag:s0] =	ssyncset.done @!p0 $0x0  }
0x188: {  	[sflag:s0] =	ssyncadd.s32 @!p0 s1  }
0x189: {  	[bflag:$0x3] =	sbarrier.arrive $0xFFFF  }
0x18a: {  	_ =	shalt  }

</sc_bundles>
